<compile_context>
chip_gen: v7x
topology: tpu7x:2x2x1
jax: 0.10.2.dev20260603
libtpu: 0.0.44.dev20260713+nightly
codegen_flags: <defaults>
</compile_context>

<pallas_src>
import functools

import jax
import jax.numpy as jnp
from jax import lax
from jax.experimental import pallas as pl
from jax.experimental.pallas import tpu as pltpu
from jax.experimental.pallas import tpu_sc as plsc

N_NODES = 10000
N_EDGES = 320000
P = 64
BATCH = 4

NUM_CORES = 2
NUM_SUBCORES = 16
C = (BATCH // NUM_CORES) * P
G = 64
NCHUNK = 314
EDGES_PER_TILE = NCHUNK * G
E_PAD = NUM_SUBCORES * EDGES_PER_TILE + G
SD_ROWS = E_PAD // G
RECW = 1280
N_PAD = 10112
ROWS_PER_TILE = N_PAD // NUM_SUBCORES


def _sc_agg(rcat, rec, zeros):
    mesh = plsc.VectorSubcoreMesh(core_axis_name="c", subcore_axis_name="s")

    @functools.partial(
        pl.kernel,
        out_type=jax.ShapeDtypeStruct((NUM_CORES * N_PAD, C), jnp.float32),
        mesh=mesh,
        scratch_types=[
            pltpu.VMEM_SHARED((N_PAD, C), jnp.float32),
            pltpu.VMEM((2 * G, C), jnp.float32),
            pltpu.VMEM((2 * G, C), jnp.float32),
            pltpu.VMEM((2 * G,), jnp.int32),
            pltpu.VMEM((2 * G,), jnp.int32),
            pltpu.VMEM((2 * G,), jnp.int32),
            pltpu.VMEM((2 * G,), jnp.int32),
            pltpu.VMEM((RECW,), jnp.float32),
            pltpu.VMEM((RECW,), jnp.float32),
            pltpu.SemaphoreType.DMA,
            pltpu.SemaphoreType.DMA,
            pltpu.SemaphoreType.DMA,
            pltpu.SemaphoreType.DMA,
        ],
    )
    def kern(rcat_hbm, rec_hbm, zeros_hbm, out_hbm,
             agg, rows0, rows1, sd0, sd1, sdg0, sdg1, kv0, kv1,
             gsem0, gsem1, ssem0, ssem1):
        cid = lax.axis_index("c")
        sid = lax.axis_index("s")
        rows = (rows0, rows1)
        sdr = (sd0, sd1)
        sdg = (sdg0, sdg1)
        kv = (kv0, kv1)
        gsem = (gsem0, gsem1)
        ssem = (ssem0, ssem1)

        goff = cid * N_NODES
        chunk0 = sid * NCHUNK

        def load_and_fire(c_global, b):
            pltpu.sync_copy(rec_hbm.at[pl.ds(c_global * RECW, RECW)], kv[b])
            for j in range(2 * G // 16):
                sl = pl.ds(j * 16, 16)
                raw = kv[b][sl].astype(jnp.int32)
                sdr[b][sl] = raw
                sdg[b][sl] = raw + goff
            pltpu.async_copy(rcat_hbm.at[sdg[b]], rows[b], gsem[b])

        row0 = sid * ROWS_PER_TILE
        load_and_fire(chunk0, 0)
        pltpu.sync_copy(zeros_hbm.at[pl.ds(row0, ROWS_PER_TILE)],
                        agg.at[pl.ds(row0, ROWS_PER_TILE)])
        plsc.subcore_barrier()

        def pair_body(i, carry):
            for b in (0, 1):
                ob = 1 - b

                def drain_prev():
                    pltpu.make_async_copy(
                        rows[ob], agg.at[sdr[ob]], ssem[ob]).wait()
                if b == 0:
                    pl.when(i >= 1)(drain_prev)
                else:
                    drain_prev()

                load_and_fire(chunk0 + 2 * i + b + 1, ob)

                pltpu.make_async_copy(
                    rcat_hbm.at[sdg[b]], rows[b], gsem[b]).wait()

                def edge_body(g, c2, b=b):
                    kvec = kv[b][pl.ds(2 * G + g * 16, 16)]
                    kneg = -kvec
                    for cc in range(C // 16):
                        sl = pl.ds(cc * 16, 16)
                        diff = rows[b][g, sl] - rows[b][g + G, sl]
                        rows[b][g + G, sl] = diff * kvec
                        rows[b][g, sl] = diff * kneg
                    return c2

                lax.fori_loop(0, G, edge_body, 0, unroll=False)

                pltpu.async_copy(rows[b], agg.at[sdr[b]], ssem[b], add=True)
            return carry

        lax.fori_loop(0, NCHUNK // 2, pair_body, 0, unroll=False)

        pltpu.make_async_copy(rcat_hbm.at[sdg[0]], rows[0], gsem[0]).wait()
        pltpu.make_async_copy(rows[1], agg.at[sdr[1]], ssem[1]).wait()

        plsc.subcore_barrier()
        pltpu.sync_copy(agg.at[pl.ds(row0, ROWS_PER_TILE)],
                        out_hbm.at[pl.ds(cid * N_PAD + row0, ROWS_PER_TILE)])

    return kern(rcat, rec, zeros)


def kernel(t, u, edge_index, k, m):
    p = u.shape[-1] // 2
    v = u[:, :, :p]
    r = u[:, :, p:]
    rcat = (r.reshape(NUM_CORES, BATCH // NUM_CORES, N_NODES, P)
             .transpose(0, 2, 1, 3)
             .reshape(NUM_CORES * N_NODES, C))
    pad = E_PAD - N_EDGES
    src = jnp.concatenate((edge_index[0], jnp.zeros((pad,), jnp.int32)))
    dst = jnp.concatenate((edge_index[1], jnp.zeros((pad,), jnp.int32)))
    kp = jnp.concatenate((k, jnp.zeros((pad,), jnp.float32)))
    sd = jnp.concatenate(
        (src.astype(jnp.float32).reshape(SD_ROWS, G),
         dst.astype(jnp.float32).reshape(SD_ROWS, G)), axis=1)
    k16 = jnp.broadcast_to(kp[:, None], (E_PAD, 16)).reshape(SD_ROWS, G * 16)
    rec = jnp.concatenate(
        (sd, k16, jnp.zeros((SD_ROWS, RECW - 2 * G - G * 16), jnp.float32)),
        axis=1).reshape(-1)
    zeros = jnp.zeros((N_PAD, C), dtype=jnp.float32)
    agg2 = _sc_agg(rcat, rec, zeros) \
        .reshape(NUM_CORES, N_PAD, C)[:, :N_NODES, :]
    agg = (agg2.reshape(NUM_CORES, N_NODES, BATCH // NUM_CORES, P)
               .transpose(0, 2, 1, 3)
               .reshape(BATCH, N_NODES, P))
    dv = agg / m[None, :, None]
    return jnp.concatenate((dv, v), axis=2)

# --- scband reference (transcript-rebuilt; emitter-appended) ---
"""Pipeline reference for scband-cofunc-9105330668116 (READ-ONLY COPY).

The authoritative reference and input builder live on the scoring server;
editing this copy changes nothing except your own understanding.
"""

import jax, jax.numpy as jnp
import numpy as np

N_NODES = 10000
N_EDGES = 320000
P = 64
BATCH = 4


def setup_inputs(seed: int = 0) -> dict:
    key = jax.random.key(seed)
    k1, k2, k3 = jax.random.split(key, 3)
    t = jnp.zeros((1,), dtype=jnp.float32)
    u = jax.random.normal(k1, (BATCH, N_NODES, 2 * P), dtype=jnp.float32)
    # undirected edges stored once; reference applies both directions
    edge_index = jax.random.randint(k2, (2, N_EDGES), 0, N_NODES, dtype=jnp.int32)
    k = jax.random.uniform(k3, (N_EDGES,), dtype=jnp.float32)
    m = jnp.ones((N_NODES,), dtype=jnp.float32)
    return {"t": t, "u": u, "edge_index": edge_index, "k": k, "m": m}


def reference(t, u, edge_index, k, m):
    # u: [B, N, 2p]; v = velocities, r = positions
    p = u.shape[-1] // 2
    v = u[:, :, :p]
    r = u[:, :, p:]
    src = edge_index[0]
    dst = edge_index[1]
    # message along undirected edge (src, dst):
    #   node dst sees neighbor src: (r_src - r_dst) * k_e
    #   node src sees neighbor dst: (r_dst - r_src) * k_e = -msg
    diff = jnp.take(r, src, axis=1) - jnp.take(r, dst, axis=1)  # [B, E, p]
    msg = diff * k[None, :, None]
    agg = jnp.zeros((u.shape[0], u.shape[1], p), dtype=u.dtype)
    agg = agg.at[:, dst, :].add(msg)
    agg = agg.at[:, src, :].add(-msg)
    dv = agg / m[None, :, None]
    dr = v
    return jnp.concatenate((dv, dr), axis=2)

if __name__ == "__main__":
    import jax
    _d = setup_inputs()
    print(jax.jit(kernel)(*tuple(_d.values())))

</pallas_src>

<mosaic_0001>
#map = affine_map<(d0, d1) -> (0, 0)>
#map1 = affine_map<(d0, d1) -> (0)>
module attributes {stable_mosaic.version = 14 : i64} {
  func.func @kern(%arg0: i32, %arg1: i32, %arg2: memref<20000x128xf32, #tpu.memory_space<hbm>>, %arg3: memref<6432000xf32, #tpu.memory_space<hbm>>, %arg4: memref<10112x128xf32, #tpu.memory_space<hbm>>, %arg5: memref<20224x128xf32, #tpu.memory_space<hbm>>, %arg6: memref<10112x128xf32, #tpu.memory_space<vmem_shared>>, %arg7: memref<128x128xf32, #tpu.memory_space<vmem>>, %arg8: memref<128x128xf32, #tpu.memory_space<vmem>>, %arg9: memref<128xi32, #tpu.memory_space<vmem>>, %arg10: memref<128xi32, #tpu.memory_space<vmem>>, %arg11: memref<128xi32, #tpu.memory_space<vmem>>, %arg12: memref<128xi32, #tpu.memory_space<vmem>>, %arg13: memref<1280xf32, #tpu.memory_space<vmem>>, %arg14: memref<1280xf32, #tpu.memory_space<vmem>>, %arg15: memref<!tpu.dma_semaphore, #tpu.memory_space<semaphore_mem>>, %arg16: memref<!tpu.dma_semaphore, #tpu.memory_space<semaphore_mem>>, %arg17: memref<!tpu.dma_semaphore, #tpu.memory_space<semaphore_mem>>, %arg18: memref<!tpu.dma_semaphore, #tpu.memory_space<semaphore_mem>>) attributes {dimension_semantics = [#tpu.dimension_semantics<core_parallel>, #tpu.dimension_semantics<subcore_parallel>], iteration_bounds = array<i64: 2, 16>, scalar_prefetch = 0 : i64, scratch_operands = 13 : i64, tpu.core_type = #tpu.core_type<sc_vector_subcore>, window_params = [{transform_indices = #map}, {transform_indices = #map1}, {transform_indices = #map}, {transform_indices = #map}]} {
    %mul3A = arith.constant 10000 : i32
    %mul3A_0 = arith.muli %arg0, %mul3A : i32
    %mul3A_1 = arith.constant 314 : i32
    %mul3A_2 = arith.muli %arg1, %mul3A_1 : i32
    %mul3A_3 = arith.constant 632 : i32
    %mul3A_4 = arith.muli %arg1, %mul3A_3 : i32
    %mul3A_5 = arith.constant 1280 : i32
    %mul3A_6 = arith.muli %mul3A_2, %mul3A_5 : i32
    "tpu.region"() ({
      %run_scoped3A = tpu.sem_alloc : memref<!tpu.dma_semaphore, #tpu.memory_space<semaphore_mem>>
      %dma_start3A_131 = tpu.memref_slice %arg3[%mul3A_6] : memref<6432000xf32, #tpu.memory_space<hbm>> -> memref<1280xf32, #tpu.memory_space<hbm>>
      %dma_start3A_132 = tpu.memref_slice %arg3[%mul3A_6] : memref<6432000xf32, #tpu.memory_space<hbm>> -> memref<1280xf32, #tpu.memory_space<hbm>>
      tpu.enqueue_dma source(%dma_start3A_132 : memref<1280xf32, #tpu.memory_space<hbm>>) target(%arg13 : memref<1280xf32, #tpu.memory_space<vmem>>) target_semaphore(%run_scoped3A : memref<!tpu.dma_semaphore, #tpu.memory_space<semaphore_mem>>)
      %dma_wait3A_133 = tpu.memref_slice %arg3[%mul3A_6] : memref<6432000xf32, #tpu.memory_space<hbm>> -> memref<1280xf32, #tpu.memory_space<hbm>>
      %dma_wait3A_134 = tpu.memref_slice %arg3[%mul3A_6] : memref<6432000xf32, #tpu.memory_space<hbm>> -> memref<1280xf32, #tpu.memory_space<hbm>>
      tpu.wait_dma2 semaphore(%run_scoped3A : memref<!tpu.dma_semaphore, #tpu.memory_space<semaphore_mem>>) src(%dma_wait3A_134 : memref<1280xf32, #tpu.memory_space<hbm>>) dst(%arg13 : memref<1280xf32, #tpu.memory_space<vmem>>)
      tpu.yield
    }) : () -> ()
    %get3A = arith.constant 0 : index
    %get3A_7 = tpu.vector_load %arg13[%get3A] {strides = array<i32>} : memref<1280xf32, #tpu.memory_space<vmem>>, vector<16xf32>,
    %get3A_8 = vector.shape_cast %get3A_7 : vector<16xf32> to vector<16xf32>
    %convert_element_type3A = arith.fptosi %get3A_8 : vector<16xf32> to vector<16xi32>
    %swap3A = arith.constant 0 : index
    %swap3A_9 = tpu.vector_load %arg9[%swap3A] {strides = array<i32>} : memref<128xi32, #tpu.memory_space<vmem>>, vector<16xi32>,
    %swap3A_10 = vector.shape_cast %swap3A_9 : vector<16xi32> to vector<16xi32>
    %swap3A_11 = vector.shape_cast %convert_element_type3A : vector<16xi32> to vector<16xi32>
    tpu.vector_store %arg9[%swap3A], %swap3A_11 {strides = array<i32>} : memref<128xi32, #tpu.memory_space<vmem>>, vector<16xi32>,
    %add3A = vector.broadcast %mul3A_0 : i32 to vector<16xi32>
    %add3A_12 = arith.addi %convert_element_type3A, %add3A : vector<16xi32>
    %swap3A_13 = arith.constant 0 : index
    %swap3A_14 = tpu.vector_load %arg11[%swap3A_13] {strides = array<i32>} : memref<128xi32, #tpu.memory_space<vmem>>, vector<16xi32>,
    %swap3A_15 = vector.shape_cast %swap3A_14 : vector<16xi32> to vector<16xi32>
    %swap3A_16 = vector.shape_cast %add3A_12 : vector<16xi32> to vector<16xi32>
    tpu.vector_store %arg11[%swap3A_13], %swap3A_16 {strides = array<i32>} : memref<128xi32, #tpu.memory_space<vmem>>, vector<16xi32>,
    %get3A_17 = arith.constant 16 : index
    %get3A_18 = tpu.vector_load %arg13[%get3A_17] {strides = array<i32>} : memref<1280xf32, #tpu.memory_space<vmem>>, vector<16xf32>,
    %get3A_19 = vector.shape_cast %get3A_18 : vector<16xf32> to vector<16xf32>
    %convert_element_type3A_20 = arith.fptosi %get3A_19 : vector<16xf32> to vector<16xi32>
    %swap3A_21 = arith.constant 16 : index
    %swap3A_22 = tpu.vector_load %arg9[%swap3A_21] {strides = array<i32>} : memref<128xi32, #tpu.memory_space<vmem>>, vector<16xi32>,
    %swap3A_23 = vector.shape_cast %swap3A_22 : vector<16xi32> to vector<16xi32>
    %swap3A_24 = vector.shape_cast %convert_element_type3A_20 : vector<16xi32> to vector<16xi32>
    tpu.vector_store %arg9[%swap3A_21], %swap3A_24 {strides = array<i32>} : memref<128xi32, #tpu.memory_space<vmem>>, vector<16xi32>,
    %add3A_25 = vector.broadcast %mul3A_0 : i32 to vector<16xi32>
    %add3A_26 = arith.addi %convert_element_type3A_20, %add3A_25 : vector<16xi32>
    %swap3A_27 = arith.constant 16 : index
    %swap3A_28 = tpu.vector_load %arg11[%swap3A_27] {strides = array<i32>} : memref<128xi32, #tpu.memory_space<vmem>>, vector<16xi32>,
    %swap3A_29 = vector.shape_cast %swap3A_28 : vector<16xi32> to vector<16xi32>
    %swap3A_30 = vector.shape_cast %add3A_26 : vector<16xi32> to vector<16xi32>
    tpu.vector_store %arg11[%swap3A_27], %swap3A_30 {strides = array<i32>} : memref<128xi32, #tpu.memory_space<vmem>>, vector<16xi32>,
    %get3A_31 = arith.constant 32 : index
    %get3A_32 = tpu.vector_load %arg13[%get3A_31] {strides = array<i32>} : memref<1280xf32, #tpu.memory_space<vmem>>, vector<16xf32>,
    %get3A_33 = vector.shape_cast %get3A_32 : vector<16xf32> to vector<16xf32>
    %convert_element_type3A_34 = arith.fptosi %get3A_33 : vector<16xf32> to vector<16xi32>
    %swap3A_35 = arith.constant 32 : index
    %swap3A_36 = tpu.vector_load %arg9[%swap3A_35] {strides = array<i32>} : memref<128xi32, #tpu.memory_space<vmem>>, vector<16xi32>,
    %swap3A_37 = vector.shape_cast %swap3A_36 : vector<16xi32> to vector<16xi32>
    %swap3A_38 = vector.shape_cast %convert_element_type3A_34 : vector<16xi32> to vector<16xi32>
    tpu.vector_store %arg9[%swap3A_35], %swap3A_38 {strides = array<i32>} : memref<128xi32, #tpu.memory_space<vmem>>, vector<16xi32>,
    %add3A_39 = vector.broadcast %mul3A_0 : i32 to vector<16xi32>
    %add3A_40 = arith.addi %convert_element_type3A_34, %add3A_39 : vector<16xi32>
    %swap3A_41 = arith.constant 32 : index
    %swap3A_42 = tpu.vector_load %arg11[%swap3A_41] {strides = array<i32>} : memref<128xi32, #tpu.memory_space<vmem>>, vector<16xi32>,
    %swap3A_43 = vector.shape_cast %swap3A_42 : vector<16xi32> to vector<16xi32>
    %swap3A_44 = vector.shape_cast %add3A_40 : vector<16xi32> to vector<16xi32>
    tpu.vector_store %arg11[%swap3A_41], %swap3A_44 {strides = array<i32>} : memref<128xi32, #tpu.memory_space<vmem>>, vector<16xi32>,
    %get3A_45 = arith.constant 48 : index
    %get3A_46 = tpu.vector_load %arg13[%get3A_45] {strides = array<i32>} : memref<1280xf32, #tpu.memory_space<vmem>>, vector<16xf32>,
    %get3A_47 = vector.shape_cast %get3A_46 : vector<16xf32> to vector<16xf32>
    %convert_element_type3A_48 = arith.fptosi %get3A_47 : vector<16xf32> to vector<16xi32>
    %swap3A_49 = arith.constant 48 : index
    %swap3A_50 = tpu.vector_load %arg9[%swap3A_49] {strides = array<i32>} : memref<128xi32, #tpu.memory_space<vmem>>, vector<16xi32>,
    %swap3A_51 = vector.shape_cast %swap3A_50 : vector<16xi32> to vector<16xi32>
    %swap3A_52 = vector.shape_cast %convert_element_type3A_48 : vector<16xi32> to vector<16xi32>
    tpu.vector_store %arg9[%swap3A_49], %swap3A_52 {strides = array<i32>} : memref<128xi32, #tpu.memory_space<vmem>>, vector<16xi32>,
    %add3A_53 = vector.broadcast %mul3A_0 : i32 to vector<16xi32>
    %add3A_54 = arith.addi %convert_element_type3A_48, %add3A_53 : vector<16xi32>
    %swap3A_55 = arith.constant 48 : index
    %swap3A_56 = tpu.vector_load %arg11[%swap3A_55] {strides = array<i32>} : memref<128xi32, #tpu.memory_space<vmem>>, vector<16xi32>,
    %swap3A_57 = vector.shape_cast %swap3A_56 : vector<16xi32> to vector<16xi32>
    %swap3A_58 = vector.shape_cast %add3A_54 : vector<16xi32> to vector<16xi32>
    tpu.vector_store %arg11[%swap3A_55], %swap3A_58 {strides = array<i32>} : memref<128xi32, #tpu.memory_space<vmem>>, vector<16xi32>,
    %get3A_59 = arith.constant 64 : index
    %get3A_60 = tpu.vector_load %arg13[%get3A_59] {strides = array<i32>} : memref<1280xf32, #tpu.memory_space<vmem>>, vector<16xf32>,
    %get3A_61 = vector.shape_cast %get3A_60 : vector<16xf32> to vector<16xf32>
    %convert_element_type3A_62 = arith.fptosi %get3A_61 : vector<16xf32> to vector<16xi32>
    %swap3A_63 = arith.constant 64 : index
    %swap3A_64 = tpu.vector_load %arg9[%swap3A_63] {strides = array<i32>} : memref<128xi32, #tpu.memory_space<vmem>>, vector<16xi32>,
    %swap3A_65 = vector.shape_cast %swap3A_64 : vector<16xi32> to vector<16xi32>
    %swap3A_66 = vector.shape_cast %convert_element_type3A_62 : vector<16xi32> to vector<16xi32>
    tpu.vector_store %arg9[%swap3A_63], %swap3A_66 {strides = array<i32>} : memref<128xi32, #tpu.memory_space<vmem>>, vector<16xi32>,
    %add3A_67 = vector.broadcast %mul3A_0 : i32 to vector<16xi32>
    %add3A_68 = arith.addi %convert_element_type3A_62, %add3A_67 : vector<16xi32>
    %swap3A_69 = arith.constant 64 : index
    %swap3A_70 = tpu.vector_load %arg11[%swap3A_69] {strides = array<i32>} : memref<128xi32, #tpu.memory_space<vmem>>, vector<16xi32>,
    %swap3A_71 = vector.shape_cast %swap3A_70 : vector<16xi32> to vector<16xi32>
    %swap3A_72 = vector.shape_cast %add3A_68 : vector<16xi32> to vector<16xi32>
    tpu.vector_store %arg11[%swap3A_69], %swap3A_72 {strides = array<i32>} : memref<128xi32, #tpu.memory_space<vmem>>, vector<16xi32>,
    %get3A_73 = arith.constant 80 : index
    %get3A_74 = tpu.vector_load %arg13[%get3A_73] {strides = array<i32>} : memref<1280xf32, #tpu.memory_space<vmem>>, vector<16xf32>,
    %get3A_75 = vector.shape_cast %get3A_74 : vector<16xf32> to vector<16xf32>
    %convert_element_type3A_76 = arith.fptosi %get3A_75 : vector<16xf32> to vector<16xi32>
    %swap3A_77 = arith.constant 80 : index
    %swap3A_78 = tpu.vector_load %arg9[%swap3A_77] {strides = array<i32>} : memref<128xi32, #tpu.memory_space<vmem>>, vector<16xi32>,
    %swap3A_79 = vector.shape_cast %swap3A_78 : vector<16xi32> to vector<16xi32>
    %swap3A_80 = vector.shape_cast %convert_element_type3A_76 : vector<16xi32> to vector<16xi32>
    tpu.vector_store %arg9[%swap3A_77], %swap3A_80 {strides = array<i32>} : memref<128xi32, #tpu.memory_space<vmem>>, vector<16xi32>,
    %add3A_81 = vector.broadcast %mul3A_0 : i32 to vector<16xi32>
    %add3A_82 = arith.addi %convert_element_type3A_76, %add3A_81 : vector<16xi32>
    %swap3A_83 = arith.constant 80 : index
    %swap3A_84 = tpu.vector_load %arg11[%swap3A_83] {strides = array<i32>} : memref<128xi32, #tpu.memory_space<vmem>>, vector<16xi32>,
    %swap3A_85 = vector.shape_cast %swap3A_84 : vector<16xi32> to vector<16xi32>
    %swap3A_86 = vector.shape_cast %add3A_82 : vector<16xi32> to vector<16xi32>
    tpu.vector_store %arg11[%swap3A_83], %swap3A_86 {strides = array<i32>} : memref<128xi32, #tpu.memory_space<vmem>>, vector<16xi32>,
    %get3A_87 = arith.constant 96 : index
    %get3A_88 = tpu.vector_load %arg13[%get3A_87] {strides = array<i32>} : memref<1280xf32, #tpu.memory_space<vmem>>, vector<16xf32>,
    %get3A_89 = vector.shape_cast %get3A_88 : vector<16xf32> to vector<16xf32>
    %convert_element_type3A_90 = arith.fptosi %get3A_89 : vector<16xf32> to vector<16xi32>
    %swap3A_91 = arith.constant 96 : index
    %swap3A_92 = tpu.vector_load %arg9[%swap3A_91] {strides = array<i32>} : memref<128xi32, #tpu.memory_space<vmem>>, vector<16xi32>,
    %swap3A_93 = vector.shape_cast %swap3A_92 : vector<16xi32> to vector<16xi32>
    %swap3A_94 = vector.shape_cast %convert_element_type3A_90 : vector<16xi32> to vector<16xi32>
    tpu.vector_store %arg9[%swap3A_91], %swap3A_94 {strides = array<i32>} : memref<128xi32, #tpu.memory_space<vmem>>, vector<16xi32>,
    %add3A_95 = vector.broadcast %mul3A_0 : i32 to vector<16xi32>
    %add3A_96 = arith.addi %convert_element_type3A_90, %add3A_95 : vector<16xi32>
    %swap3A_97 = arith.constant 96 : index
    %swap3A_98 = tpu.vector_load %arg11[%swap3A_97] {strides = array<i32>} : memref<128xi32, #tpu.memory_space<vmem>>, vector<16xi32>,
    %swap3A_99 = vector.shape_cast %swap3A_98 : vector<16xi32> to vector<16xi32>
    %swap3A_100 = vector.shape_cast %add3A_96 : vector<16xi32> to vector<16xi32>
    tpu.vector_store %arg11[%swap3A_97], %swap3A_100 {strides = array<i32>} : memref<128xi32, #tpu.memory_space<vmem>>, vector<16xi32>,
    %get3A_101 = arith.constant 112 : index
    %get3A_102 = tpu.vector_load %arg13[%get3A_101] {strides = array<i32>} : memref<1280xf32, #tpu.memory_space<vmem>>, vector<16xf32>,
    %get3A_103 = vector.shape_cast %get3A_102 : vector<16xf32> to vector<16xf32>
    %convert_element_type3A_104 = arith.fptosi %get3A_103 : vector<16xf32> to vector<16xi32>
    %swap3A_105 = arith.constant 112 : index
    %swap3A_106 = tpu.vector_load %arg9[%swap3A_105] {strides = array<i32>} : memref<128xi32, #tpu.memory_space<vmem>>, vector<16xi32>,
    %swap3A_107 = vector.shape_cast %swap3A_106 : vector<16xi32> to vector<16xi32>
    %swap3A_108 = vector.shape_cast %convert_element_type3A_104 : vector<16xi32> to vector<16xi32>
    tpu.vector_store %arg9[%swap3A_105], %swap3A_108 {strides = array<i32>} : memref<128xi32, #tpu.memory_space<vmem>>, vector<16xi32>,
    %add3A_109 = vector.broadcast %mul3A_0 : i32 to vector<16xi32>
    %add3A_110 = arith.addi %convert_element_type3A_104, %add3A_109 : vector<16xi32>
    %swap3A_111 = arith.constant 112 : index
    %swap3A_112 = tpu.vector_load %arg11[%swap3A_111] {strides = array<i32>} : memref<128xi32, #tpu.memory_space<vmem>>, vector<16xi32>,
    %swap3A_113 = vector.shape_cast %swap3A_112 : vector<16xi32> to vector<16xi32>
    %swap3A_114 = vector.shape_cast %add3A_110 : vector<16xi32> to vector<16xi32>
    tpu.vector_store %arg11[%swap3A_111], %swap3A_114 {strides = array<i32>} : memref<128xi32, #tpu.memory_space<vmem>>, vector<16xi32>,
    %dma_start3A = arith.constant 0 : i32
    %dma_start3A_115 = arith.constant 0 : i32
    %dma_start3A_116 = tpu.memref_slice %arg2[%dma_start3A, %dma_start3A_115] : memref<20000x128xf32, #tpu.memory_space<hbm>> -> memref<20000x128xf32, #tpu.memory_space<hbm>>
    tpu.enqueue_indirect_dma source(%dma_start3A_116 : memref<20000x128xf32, #tpu.memory_space<hbm>>) target(%arg7 : memref<128x128xf32, #tpu.memory_space<vmem>>) offsets(%arg11 : memref<128xi32, #tpu.memory_space<vmem>>) semaphore(%arg15 : memref<!tpu.dma_semaphore, #tpu.memory_space<semaphore_mem>>)
    "tpu.region"() ({
      %run_scoped3A = tpu.sem_alloc : memref<!tpu.dma_semaphore, #tpu.memory_space<semaphore_mem>>
      %dma_start3A_131 = arith.constant 0 : i32
      %dma_start3A_132 = tpu.memref_slice %arg6[%mul3A_4, %dma_start3A_131] : memref<10112x128xf32, #tpu.memory_space<vmem_shared>> -> memref<632x128xf32, #tpu.memory_space<vmem_shared>>
      %dma_start3A_133 = arith.constant 0 : i32
      %dma_start3A_134 = tpu.memref_slice %arg4[%mul3A_4, %dma_start3A_133] : memref<10112x128xf32, #tpu.memory_space<hbm>> -> memref<632x128xf32, #tpu.memory_space<hbm>>
      tpu.enqueue_dma source(%dma_start3A_134 : memref<632x128xf32, #tpu.memory_space<hbm>>) target(%dma_start3A_132 : memref<632x128xf32, #tpu.memory_space<vmem_shared>>) target_semaphore(%run_scoped3A : memref<!tpu.dma_semaphore, #tpu.memory_space<semaphore_mem>>)
      %dma_wait3A_135 = arith.constant 0 : i32
      %dma_wait3A_136 = tpu.memref_slice %arg6[%mul3A_4, %dma_wait3A_135] : memref<10112x128xf32, #tpu.memory_space<vmem_shared>> -> memref<632x128xf32, #tpu.memory_space<vmem_shared>>
      %dma_wait3A_137 = arith.constant 0 : i32
      %dma_wait3A_138 = tpu.memref_slice %arg4[%mul3A_4, %dma_wait3A_137] : memref<10112x128xf32, #tpu.memory_space<hbm>> -> memref<632x128xf32, #tpu.memory_space<hbm>>
      tpu.wait_dma2 semaphore(%run_scoped3A : memref<!tpu.dma_semaphore, #tpu.memory_space<semaphore_mem>>) src(%dma_wait3A_138 : memref<632x128xf32, #tpu.memory_space<hbm>>) dst(%dma_wait3A_136 : memref<632x128xf32, #tpu.memory_space<vmem_shared>>)
      tpu.yield
    }) : () -> ()
    %barrier3A = arith.constant 0 : index
    tpu.barrier barrier_id(%barrier3A)
    %scan3A = arith.constant 0 : i32
    %scan3A_117 = arith.constant 0 : i32
    %scan3A_118 = arith.constant 157 : i32
    %scan3A_119 = arith.addi %scan3A_117, %scan3A_118 : i32
    %scan3A_120 = arith.constant 1 : i32
    scf.for %scan3A_131 = %scan3A_117 to %scan3A_119 step %scan3A_120  : i32 {
      %ge3A = arith.constant 1 : i32
      %ge3A_132 = arith.cmpi sge, %scan3A_131, %ge3A : i32
      %convert_element_type3A_133 = arith.extui %ge3A_132 : i1 to i32
      %cond3A = arith.constant 0 : i32
      %cond3A_134 = arith.cmpi ne, %convert_element_type3A_133, %cond3A : i32
      scf.if %cond3A_134 {
        %dma_wait3A_410 = arith.constant 0 : i32
        %dma_wait3A_411 = arith.constant 0 : i32
        %dma_wait3A_412 = tpu.memref_slice %arg6[%dma_wait3A_410, %dma_wait3A_411] : memref<10112x128xf32, #tpu.memory_space<vmem_shared>> -> memref<10112x128xf32, #tpu.memory_space<vmem_shared>>
        tpu.wait_indirect_dma semaphore(%arg18 : memref<!tpu.dma_semaphore, #tpu.memory_space<semaphore_mem>>) src(%arg8 : memref<128x128xf32, #tpu.memory_space<vmem>>) dst(%dma_wait3A_412 : memref<10112x128xf32, #tpu.memory_space<vmem_shared>>)
      } else {
      }
      %mul3A_135 = arith.constant 2 : i32
      %mul3A_136 = arith.muli %mul3A_135, %scan3A_131 : i32
      %add3A_137 = arith.addi %mul3A_2, %mul3A_136 : i32
      %add3A_138 = arith.constant 0 : i32
      %add3A_139 = arith.addi %add3A_137, %add3A_138 : i32
      %add3A_140 = arith.constant 1 : i32
      %add3A_141 = arith.addi %add3A_139, %add3A_140 : i32
      %mul3A_142 = arith.constant 1280 : i32
      %mul3A_143 = arith.muli %add3A_141, %mul3A_142 : i32
      "tpu.region"() ({
        %run_scoped3A = tpu.sem_alloc : memref<!tpu.dma_semaphore, #tpu.memory_space<semaphore_mem>>
        %dma_start3A_410 = tpu.memref_slice %arg3[%mul3A_143] : memref<6432000xf32, #tpu.memory_space<hbm>> -> memref<1280xf32, #tpu.memory_space<hbm>>
        %dma_start3A_411 = tpu.memref_slice %arg3[%mul3A_143] : memref<6432000xf32, #tpu.memory_space<hbm>> -> memref<1280xf32, #tpu.memory_space<hbm>>
        tpu.enqueue_dma source(%dma_start3A_411 : memref<1280xf32, #tpu.memory_space<hbm>>) target(%arg14 : memref<1280xf32, #tpu.memory_space<vmem>>) target_semaphore(%run_scoped3A : memref<!tpu.dma_semaphore, #tpu.memory_space<semaphore_mem>>)
        %dma_wait3A_412 = tpu.memref_slice %arg3[%mul3A_143] : memref<6432000xf32, #tpu.memory_space<hbm>> -> memref<1280xf32, #tpu.memory_space<hbm>>
        %dma_wait3A_413 = tpu.memref_slice %arg3[%mul3A_143] : memref<6432000xf32, #tpu.memory_space<hbm>> -> memref<1280xf32, #tpu.memory_space<hbm>>
        tpu.wait_dma2 semaphore(%run_scoped3A : memref<!tpu.dma_semaphore, #tpu.memory_space<semaphore_mem>>) src(%dma_wait3A_413 : memref<1280xf32, #tpu.memory_space<hbm>>) dst(%arg14 : memref<1280xf32, #tpu.memory_space<vmem>>)
        tpu.yield
      }) : () -> ()
      %get3A_144 = arith.constant 0 : index
      %get3A_145 = tpu.vector_load %arg14[%get3A_144] {strides = array<i32>} : memref<1280xf32, #tpu.memory_space<vmem>>, vector<16xf32>,
      %get3A_146 = vector.shape_cast %get3A_145 : vector<16xf32> to vector<16xf32>
      %convert_element_type3A_147 = arith.fptosi %get3A_146 : vector<16xf32> to vector<16xi32>
      %swap3A_148 = arith.constant 0 : index
      %swap3A_149 = tpu.vector_load %arg10[%swap3A_148] {strides = array<i32>} : memref<128xi32, #tpu.memory_space<vmem>>, vector<16xi32>,
      %swap3A_150 = vector.shape_cast %swap3A_149 : vector<16xi32> to vector<16xi32>
      %swap3A_151 = vector.shape_cast %convert_element_type3A_147 : vector<16xi32> to vector<16xi32>
      tpu.vector_store %arg10[%swap3A_148], %swap3A_151 {strides = array<i32>} : memref<128xi32, #tpu.memory_space<vmem>>, vector<16xi32>,
      %add3A_152 = vector.broadcast %mul3A_0 : i32 to vector<16xi32>
      %add3A_153 = arith.addi %convert_element_type3A_147, %add3A_152 : vector<16xi32>
      %swap3A_154 = arith.constant 0 : index
      %swap3A_155 = tpu.vector_load %arg12[%swap3A_154] {strides = array<i32>} : memref<128xi32, #tpu.memory_space<vmem>>, vector<16xi32>,
      %swap3A_156 = vector.shape_cast %swap3A_155 : vector<16xi32> to vector<16xi32>
      %swap3A_157 = vector.shape_cast %add3A_153 : vector<16xi32> to vector<16xi32>
      tpu.vector_store %arg12[%swap3A_154], %swap3A_157 {strides = array<i32>} : memref<128xi32, #tpu.memory_space<vmem>>, vector<16xi32>,
      %get3A_158 = arith.constant 16 : index
      %get3A_159 = tpu.vector_load %arg14[%get3A_158] {strides = array<i32>} : memref<1280xf32, #tpu.memory_space<vmem>>, vector<16xf32>,
      %get3A_160 = vector.shape_cast %get3A_159 : vector<16xf32> to vector<16xf32>
      %convert_element_type3A_161 = arith.fptosi %get3A_160 : vector<16xf32> to vector<16xi32>
      %swap3A_162 = arith.constant 16 : index
      %swap3A_163 = tpu.vector_load %arg10[%swap3A_162] {strides = array<i32>} : memref<128xi32, #tpu.memory_space<vmem>>, vector<16xi32>,
      %swap3A_164 = vector.shape_cast %swap3A_163 : vector<16xi32> to vector<16xi32>
      %swap3A_165 = vector.shape_cast %convert_element_type3A_161 : vector<16xi32> to vector<16xi32>
      tpu.vector_store %arg10[%swap3A_162], %swap3A_165 {strides = array<i32>} : memref<128xi32, #tpu.memory_space<vmem>>, vector<16xi32>,
      %add3A_166 = vector.broadcast %mul3A_0 : i32 to vector<16xi32>
      %add3A_167 = arith.addi %convert_element_type3A_161, %add3A_166 : vector<16xi32>
      %swap3A_168 = arith.constant 16 : index
      %swap3A_169 = tpu.vector_load %arg12[%swap3A_168] {strides = array<i32>} : memref<128xi32, #tpu.memory_space<vmem>>, vector<16xi32>,
      %swap3A_170 = vector.shape_cast %swap3A_169 : vector<16xi32> to vector<16xi32>
      %swap3A_171 = vector.shape_cast %add3A_167 : vector<16xi32> to vector<16xi32>
      tpu.vector_store %arg12[%swap3A_168], %swap3A_171 {strides = array<i32>} : memref<128xi32, #tpu.memory_space<vmem>>, vector<16xi32>,
      %get3A_172 = arith.constant 32 : index
      %get3A_173 = tpu.vector_load %arg14[%get3A_172] {strides = array<i32>} : memref<1280xf32, #tpu.memory_space<vmem>>, vector<16xf32>,
      %get3A_174 = vector.shape_cast %get3A_173 : vector<16xf32> to vector<16xf32>
      %convert_element_type3A_175 = arith.fptosi %get3A_174 : vector<16xf32> to vector<16xi32>
      %swap3A_176 = arith.constant 32 : index
      %swap3A_177 = tpu.vector_load %arg10[%swap3A_176] {strides = array<i32>} : memref<128xi32, #tpu.memory_space<vmem>>, vector<16xi32>,
      %swap3A_178 = vector.shape_cast %swap3A_177 : vector<16xi32> to vector<16xi32>
      %swap3A_179 = vector.shape_cast %convert_element_type3A_175 : vector<16xi32> to vector<16xi32>
      tpu.vector_store %arg10[%swap3A_176], %swap3A_179 {strides = array<i32>} : memref<128xi32, #tpu.memory_space<vmem>>, vector<16xi32>,
      %add3A_180 = vector.broadcast %mul3A_0 : i32 to vector<16xi32>
      %add3A_181 = arith.addi %convert_element_type3A_175, %add3A_180 : vector<16xi32>
      %swap3A_182 = arith.constant 32 : index
      %swap3A_183 = tpu.vector_load %arg12[%swap3A_182] {strides = array<i32>} : memref<128xi32, #tpu.memory_space<vmem>>, vector<16xi32>,
      %swap3A_184 = vector.shape_cast %swap3A_183 : vector<16xi32> to vector<16xi32>
      %swap3A_185 = vector.shape_cast %add3A_181 : vector<16xi32> to vector<16xi32>
      tpu.vector_store %arg12[%swap3A_182], %swap3A_185 {strides = array<i32>} : memref<128xi32, #tpu.memory_space<vmem>>, vector<16xi32>,
      %get3A_186 = arith.constant 48 : index
      %get3A_187 = tpu.vector_load %arg14[%get3A_186] {strides = array<i32>} : memref<1280xf32, #tpu.memory_space<vmem>>, vector<16xf32>,
      %get3A_188 = vector.shape_cast %get3A_187 : vector<16xf32> to vector<16xf32>
      %convert_element_type3A_189 = arith.fptosi %get3A_188 : vector<16xf32> to vector<16xi32>
      %swap3A_190 = arith.constant 48 : index
      %swap3A_191 = tpu.vector_load %arg10[%swap3A_190] {strides = array<i32>} : memref<128xi32, #tpu.memory_space<vmem>>, vector<16xi32>,
      %swap3A_192 = vector.shape_cast %swap3A_191 : vector<16xi32> to vector<16xi32>
      %swap3A_193 = vector.shape_cast %convert_element_type3A_189 : vector<16xi32> to vector<16xi32>
      tpu.vector_store %arg10[%swap3A_190], %swap3A_193 {strides = array<i32>} : memref<128xi32, #tpu.memory_space<vmem>>, vector<16xi32>,
      %add3A_194 = vector.broadcast %mul3A_0 : i32 to vector<16xi32>
      %add3A_195 = arith.addi %convert_element_type3A_189, %add3A_194 : vector<16xi32>
      %swap3A_196 = arith.constant 48 : index
      %swap3A_197 = tpu.vector_load %arg12[%swap3A_196] {strides = array<i32>} : memref<128xi32, #tpu.memory_space<vmem>>, vector<16xi32>,
      %swap3A_198 = vector.shape_cast %swap3A_197 : vector<16xi32> to vector<16xi32>
      %swap3A_199 = vector.shape_cast %add3A_195 : vector<16xi32> to vector<16xi32>
      tpu.vector_store %arg12[%swap3A_196], %swap3A_199 {strides = array<i32>} : memref<128xi32, #tpu.memory_space<vmem>>, vector<16xi32>,
      %get3A_200 = arith.constant 64 : index
      %get3A_201 = tpu.vector_load %arg14[%get3A_200] {strides = array<i32>} : memref<1280xf32, #tpu.memory_space<vmem>>, vector<16xf32>,
      %get3A_202 = vector.shape_cast %get3A_201 : vector<16xf32> to vector<16xf32>
      %convert_element_type3A_203 = arith.fptosi %get3A_202 : vector<16xf32> to vector<16xi32>
      %swap3A_204 = arith.constant 64 : index
      %swap3A_205 = tpu.vector_load %arg10[%swap3A_204] {strides = array<i32>} : memref<128xi32, #tpu.memory_space<vmem>>, vector<16xi32>,
      %swap3A_206 = vector.shape_cast %swap3A_205 : vector<16xi32> to vector<16xi32>
      %swap3A_207 = vector.shape_cast %convert_element_type3A_203 : vector<16xi32> to vector<16xi32>
      tpu.vector_store %arg10[%swap3A_204], %swap3A_207 {strides = array<i32>} : memref<128xi32, #tpu.memory_space<vmem>>, vector<16xi32>,
      %add3A_208 = vector.broadcast %mul3A_0 : i32 to vector<16xi32>
      %add3A_209 = arith.addi %convert_element_type3A_203, %add3A_208 : vector<16xi32>
      %swap3A_210 = arith.constant 64 : index
      %swap3A_211 = tpu.vector_load %arg12[%swap3A_210] {strides = array<i32>} : memref<128xi32, #tpu.memory_space<vmem>>, vector<16xi32>,
      %swap3A_212 = vector.shape_cast %swap3A_211 : vector<16xi32> to vector<16xi32>
      %swap3A_213 = vector.shape_cast %add3A_209 : vector<16xi32> to vector<16xi32>
      tpu.vector_store %arg12[%swap3A_210], %swap3A_213 {strides = array<i32>} : memref<128xi32, #tpu.memory_space<vmem>>, vector<16xi32>,
      %get3A_214 = arith.constant 80 : index
      %get3A_215 = tpu.vector_load %arg14[%get3A_214] {strides = array<i32>} : memref<1280xf32, #tpu.memory_space<vmem>>, vector<16xf32>,
      %get3A_216 = vector.shape_cast %get3A_215 : vector<16xf32> to vector<16xf32>
      %convert_element_type3A_217 = arith.fptosi %get3A_216 : vector<16xf32> to vector<16xi32>
      %swap3A_218 = arith.constant 80 : index
      %swap3A_219 = tpu.vector_load %arg10[%swap3A_218] {strides = array<i32>} : memref<128xi32, #tpu.memory_space<vmem>>, vector<16xi32>,
      %swap3A_220 = vector.shape_cast %swap3A_219 : vector<16xi32> to vector<16xi32>
      %swap3A_221 = vector.shape_cast %convert_element_type3A_217 : vector<16xi32> to vector<16xi32>
      tpu.vector_store %arg10[%swap3A_218], %swap3A_221 {strides = array<i32>} : memref<128xi32, #tpu.memory_space<vmem>>, vector<16xi32>,
      %add3A_222 = vector.broadcast %mul3A_0 : i32 to vector<16xi32>
      %add3A_223 = arith.addi %convert_element_type3A_217, %add3A_222 : vector<16xi32>
      %swap3A_224 = arith.constant 80 : index
      %swap3A_225 = tpu.vector_load %arg12[%swap3A_224] {strides = array<i32>} : memref<128xi32, #tpu.memory_space<vmem>>, vector<16xi32>,
      %swap3A_226 = vector.shape_cast %swap3A_225 : vector<16xi32> to vector<16xi32>
      %swap3A_227 = vector.shape_cast %add3A_223 : vector<16xi32> to vector<16xi32>
      tpu.vector_store %arg12[%swap3A_224], %swap3A_227 {strides = array<i32>} : memref<128xi32, #tpu.memory_space<vmem>>, vector<16xi32>,
      %get3A_228 = arith.constant 96 : index
      %get3A_229 = tpu.vector_load %arg14[%get3A_228] {strides = array<i32>} : memref<1280xf32, #tpu.memory_space<vmem>>, vector<16xf32>,
      %get3A_230 = vector.shape_cast %get3A_229 : vector<16xf32> to vector<16xf32>
      %convert_element_type3A_231 = arith.fptosi %get3A_230 : vector<16xf32> to vector<16xi32>
      %swap3A_232 = arith.constant 96 : index
      %swap3A_233 = tpu.vector_load %arg10[%swap3A_232] {strides = array<i32>} : memref<128xi32, #tpu.memory_space<vmem>>, vector<16xi32>,
      %swap3A_234 = vector.shape_cast %swap3A_233 : vector<16xi32> to vector<16xi32>
      %swap3A_235 = vector.shape_cast %convert_element_type3A_231 : vector<16xi32> to vector<16xi32>
      tpu.vector_store %arg10[%swap3A_232], %swap3A_235 {strides = array<i32>} : memref<128xi32, #tpu.memory_space<vmem>>, vector<16xi32>,
      %add3A_236 = vector.broadcast %mul3A_0 : i32 to vector<16xi32>
      %add3A_237 = arith.addi %convert_element_type3A_231, %add3A_236 : vector<16xi32>
      %swap3A_238 = arith.constant 96 : index
      %swap3A_239 = tpu.vector_load %arg12[%swap3A_238] {strides = array<i32>} : memref<128xi32, #tpu.memory_space<vmem>>, vector<16xi32>,
      %swap3A_240 = vector.shape_cast %swap3A_239 : vector<16xi32> to vector<16xi32>
      %swap3A_241 = vector.shape_cast %add3A_237 : vector<16xi32> to vector<16xi32>
      tpu.vector_store %arg12[%swap3A_238], %swap3A_241 {strides = array<i32>} : memref<128xi32, #tpu.memory_space<vmem>>, vector<16xi32>,
      %get3A_242 = arith.constant 112 : index
      %get3A_243 = tpu.vector_load %arg14[%get3A_242] {strides = array<i32>} : memref<1280xf32, #tpu.memory_space<vmem>>, vector<16xf32>,
      %get3A_244 = vector.shape_cast %get3A_243 : vector<16xf32> to vector<16xf32>
      %convert_element_type3A_245 = arith.fptosi %get3A_244 : vector<16xf32> to vector<16xi32>
      %swap3A_246 = arith.constant 112 : index
      %swap3A_247 = tpu.vector_load %arg10[%swap3A_246] {strides = array<i32>} : memref<128xi32, #tpu.memory_space<vmem>>, vector<16xi32>,
      %swap3A_248 = vector.shape_cast %swap3A_247 : vector<16xi32> to vector<16xi32>
      %swap3A_249 = vector.shape_cast %convert_element_type3A_245 : vector<16xi32> to vector<16xi32>
      tpu.vector_store %arg10[%swap3A_246], %swap3A_249 {strides = array<i32>} : memref<128xi32, #tpu.memory_space<vmem>>, vector<16xi32>,
      %add3A_250 = vector.broadcast %mul3A_0 : i32 to vector<16xi32>
      %add3A_251 = arith.addi %convert_element_type3A_245, %add3A_250 : vector<16xi32>
      %swap3A_252 = arith.constant 112 : index
      %swap3A_253 = tpu.vector_load %arg12[%swap3A_252] {strides = array<i32>} : memref<128xi32, #tpu.memory_space<vmem>>, vector<16xi32>,
      %swap3A_254 = vector.shape_cast %swap3A_253 : vector<16xi32> to vector<16xi32>
      %swap3A_255 = vector.shape_cast %add3A_251 : vector<16xi32> to vector<16xi32>
      tpu.vector_store %arg12[%swap3A_252], %swap3A_255 {strides = array<i32>} : memref<128xi32, #tpu.memory_space<vmem>>, vector<16xi32>,
      %dma_start3A_256 = arith.constant 0 : i32
      %dma_start3A_257 = arith.constant 0 : i32
      %dma_start3A_258 = tpu.memref_slice %arg2[%dma_start3A_256, %dma_start3A_257] : memref<20000x128xf32, #tpu.memory_space<hbm>> -> memref<20000x128xf32, #tpu.memory_space<hbm>>
      tpu.enqueue_indirect_dma source(%dma_start3A_258 : memref<20000x128xf32, #tpu.memory_space<hbm>>) target(%arg8 : memref<128x128xf32, #tpu.memory_space<vmem>>) offsets(%arg12 : memref<128xi32, #tpu.memory_space<vmem>>) semaphore(%arg16 : memref<!tpu.dma_semaphore, #tpu.memory_space<semaphore_mem>>)
      %dma_wait3A_259 = arith.constant 0 : i32
      %dma_wait3A_260 = arith.constant 0 : i32
      %dma_wait3A_261 = tpu.memref_slice %arg2[%dma_wait3A_259, %dma_wait3A_260] : memref<20000x128xf32, #tpu.memory_space<hbm>> -> memref<20000x128xf32, #tpu.memory_space<hbm>>
      tpu.wait_indirect_dma semaphore(%arg15 : memref<!tpu.dma_semaphore, #tpu.memory_space<semaphore_mem>>) src(%dma_wait3A_261 : memref<20000x128xf32, #tpu.memory_space<hbm>>) dst(%arg7 : memref<128x128xf32, #tpu.memory_space<vmem>>)
      %scan3A_262 = arith.constant 0 : i32
      %scan3A_263 = arith.constant 0 : i32
      %scan3A_264 = arith.constant 64 : i32
      %scan3A_265 = arith.addi %scan3A_263, %scan3A_264 : i32
      %scan3A_266 = arith.constant 1 : i32
      scf.for %scan3A_410 = %scan3A_263 to %scan3A_265 step %scan3A_266  : i32 {
        %mul3A_411 = arith.constant 16 : i32
        %mul3A_412 = arith.muli %scan3A_410, %mul3A_411 : i32
        %add3A_413 = arith.constant 128 : i32
        %add3A_414 = arith.addi %add3A_413, %mul3A_412 : i32
        %get3A_415 = arith.index_cast %add3A_414 : i32 to index
        %get3A_416 = tpu.vector_load %arg13[%get3A_415] {strides = array<i32>} : memref<1280xf32, #tpu.memory_space<vmem>>, vector<16xf32>,
        %get3A_417 = vector.shape_cast %get3A_416 : vector<16xf32> to vector<16xf32>
        %neg3A = arith.constant 0.000000e+00 : f32
        %neg3A_418 = vector.broadcast %neg3A : f32 to vector<16xf32>
        %neg3A_419 = arith.subf %neg3A_418, %get3A_417 : vector<16xf32>
        %get3A_420 = arith.index_cast %scan3A_410 : i32 to index
        %get3A_421 = arith.constant 0 : index
        %get3A_422 = tpu.vector_load %arg7[%get3A_420, %get3A_421] {strides = array<i32>} : memref<128x128xf32, #tpu.memory_space<vmem>>, vector<1x16xf32>,
        %get3A_423 = vector.shape_cast %get3A_422 : vector<1x16xf32> to vector<16xf32>
        %add3A_424 = arith.constant 64 : i32
        %add3A_425 = arith.addi %scan3A_410, %add3A_424 : i32
        %get3A_426 = arith.index_cast %add3A_425 : i32 to index
        %get3A_427 = arith.constant 0 : index
        %get3A_428 = tpu.vector_load %arg7[%get3A_426, %get3A_427] {strides = array<i32>} : memref<128x128xf32, #tpu.memory_space<vmem>>, vector<1x16xf32>,
        %get3A_429 = vector.shape_cast %get3A_428 : vector<1x16xf32> to vector<16xf32>
        %sub3A = arith.subf %get3A_423, %get3A_429 : vector<16xf32>
        %mul3A_430 = arith.mulf %sub3A, %get3A_417 : vector<16xf32>
        %add3A_431 = arith.constant 64 : i32
        %add3A_432 = arith.addi %scan3A_410, %add3A_431 : i32
        %swap3A_433 = arith.index_cast %add3A_432 : i32 to index
        %swap3A_434 = arith.constant 0 : index
        %swap3A_435 = tpu.vector_load %arg7[%swap3A_433, %swap3A_434] {strides = array<i32>} : memref<128x128xf32, #tpu.memory_space<vmem>>, vector<1x16xf32>,
        %swap3A_436 = vector.shape_cast %swap3A_435 : vector<1x16xf32> to vector<16xf32>
        %swap3A_437 = vector.shape_cast %mul3A_430 : vector<16xf32> to vector<1x16xf32>
        tpu.vector_store %arg7[%swap3A_433, %swap3A_434], %swap3A_437 {strides = array<i32>} : memref<128x128xf32, #tpu.memory_space<vmem>>, vector<1x16xf32>,
        %mul3A_438 = arith.mulf %sub3A, %neg3A_419 : vector<16xf32>
        %swap3A_439 = arith.index_cast %scan3A_410 : i32 to index
        %swap3A_440 = arith.constant 0 : index
        %swap3A_441 = tpu.vector_load %arg7[%swap3A_439, %swap3A_440] {strides = array<i32>} : memref<128x128xf32, #tpu.memory_space<vmem>>, vector<1x16xf32>,
        %swap3A_442 = vector.shape_cast %swap3A_441 : vector<1x16xf32> to vector<16xf32>
        %swap3A_443 = vector.shape_cast %mul3A_438 : vector<16xf32> to vector<1x16xf32>
        tpu.vector_store %arg7[%swap3A_439, %swap3A_440], %swap3A_443 {strides = array<i32>} : memref<128x128xf32, #tpu.memory_space<vmem>>, vector<1x16xf32>,
        %get3A_444 = arith.index_cast %scan3A_410 : i32 to index
        %get3A_445 = arith.constant 16 : index
        %get3A_446 = tpu.vector_load %arg7[%get3A_444, %get3A_445] {strides = array<i32>} : memref<128x128xf32, #tpu.memory_space<vmem>>, vector<1x16xf32>,
        %get3A_447 = vector.shape_cast %get3A_446 : vector<1x16xf32> to vector<16xf32>
        %add3A_448 = arith.constant 64 : i32
        %add3A_449 = arith.addi %scan3A_410, %add3A_448 : i32
        %get3A_450 = arith.index_cast %add3A_449 : i32 to index
        %get3A_451 = arith.constant 16 : index
        %get3A_452 = tpu.vector_load %arg7[%get3A_450, %get3A_451] {strides = array<i32>} : memref<128x128xf32, #tpu.memory_space<vmem>>, vector<1x16xf32>,
        %get3A_453 = vector.shape_cast %get3A_452 : vector<1x16xf32> to vector<16xf32>
        %sub3A_454 = arith.subf %get3A_447, %get3A_453 : vector<16xf32>
        %mul3A_455 = arith.mulf %sub3A_454, %get3A_417 : vector<16xf32>
        %add3A_456 = arith.constant 64 : i32
        %add3A_457 = arith.addi %scan3A_410, %add3A_456 : i32
        %swap3A_458 = arith.index_cast %add3A_457 : i32 to index
        %swap3A_459 = arith.constant 16 : index
        %swap3A_460 = tpu.vector_load %arg7[%swap3A_458, %swap3A_459] {strides = array<i32>} : memref<128x128xf32, #tpu.memory_space<vmem>>, vector<1x16xf32>,
        %swap3A_461 = vector.shape_cast %swap3A_460 : vector<1x16xf32> to vector<16xf32>
        %swap3A_462 = vector.shape_cast %mul3A_455 : vector<16xf32> to vector<1x16xf32>
        tpu.vector_store %arg7[%swap3A_458, %swap3A_459], %swap3A_462 {strides = array<i32>} : memref<128x128xf32, #tpu.memory_space<vmem>>, vector<1x16xf32>,
        %mul3A_463 = arith.mulf %sub3A_454, %neg3A_419 : vector<16xf32>
        %swap3A_464 = arith.index_cast %scan3A_410 : i32 to index
        %swap3A_465 = arith.constant 16 : index
        %swap3A_466 = tpu.vector_load %arg7[%swap3A_464, %swap3A_465] {strides = array<i32>} : memref<128x128xf32, #tpu.memory_space<vmem>>, vector<1x16xf32>,
        %swap3A_467 = vector.shape_cast %swap3A_466 : vector<1x16xf32> to vector<16xf32>
        %swap3A_468 = vector.shape_cast %mul3A_463 : vector<16xf32> to vector<1x16xf32>
        tpu.vector_store %arg7[%swap3A_464, %swap3A_465], %swap3A_468 {strides = array<i32>} : memref<128x128xf32, #tpu.memory_space<vmem>>, vector<1x16xf32>,
        %get3A_469 = arith.index_cast %scan3A_410 : i32 to index
        %get3A_470 = arith.constant 32 : index
        %get3A_471 = tpu.vector_load %arg7[%get3A_469, %get3A_470] {strides = array<i32>} : memref<128x128xf32, #tpu.memory_space<vmem>>, vector<1x16xf32>,
        %get3A_472 = vector.shape_cast %get3A_471 : vector<1x16xf32> to vector<16xf32>
        %add3A_473 = arith.constant 64 : i32
        %add3A_474 = arith.addi %scan3A_410, %add3A_473 : i32
        %get3A_475 = arith.index_cast %add3A_474 : i32 to index
        %get3A_476 = arith.constant 32 : index
        %get3A_477 = tpu.vector_load %arg7[%get3A_475, %get3A_476] {strides = array<i32>} : memref<128x128xf32, #tpu.memory_space<vmem>>, vector<1x16xf32>,
        %get3A_478 = vector.shape_cast %get3A_477 : vector<1x16xf32> to vector<16xf32>
        %sub3A_479 = arith.subf %get3A_472, %get3A_478 : vector<16xf32>
        %mul3A_480 = arith.mulf %sub3A_479, %get3A_417 : vector<16xf32>
        %add3A_481 = arith.constant 64 : i32
        %add3A_482 = arith.addi %scan3A_410, %add3A_481 : i32
        %swap3A_483 = arith.index_cast %add3A_482 : i32 to index
        %swap3A_484 = arith.constant 32 : index
        %swap3A_485 = tpu.vector_load %arg7[%swap3A_483, %swap3A_484] {strides = array<i32>} : memref<128x128xf32, #tpu.memory_space<vmem>>, vector<1x16xf32>,
        %swap3A_486 = vector.shape_cast %swap3A_485 : vector<1x16xf32> to vector<16xf32>
        %swap3A_487 = vector.shape_cast %mul3A_480 : vector<16xf32> to vector<1x16xf32>
        tpu.vector_store %arg7[%swap3A_483, %swap3A_484], %swap3A_487 {strides = array<i32>} : memref<128x128xf32, #tpu.memory_space<vmem>>, vector<1x16xf32>,
        %mul3A_488 = arith.mulf %sub3A_479, %neg3A_419 : vector<16xf32>
        %swap3A_489 = arith.index_cast %scan3A_410 : i32 to index
        %swap3A_490 = arith.constant 32 : index
        %swap3A_491 = tpu.vector_load %arg7[%swap3A_489, %swap3A_490] {strides = array<i32>} : memref<128x128xf32, #tpu.memory_space<vmem>>, vector<1x16xf32>,
        %swap3A_492 = vector.shape_cast %swap3A_491 : vector<1x16xf32> to vector<16xf32>
        %swap3A_493 = vector.shape_cast %mul3A_488 : vector<16xf32> to vector<1x16xf32>
        tpu.vector_store %arg7[%swap3A_489, %swap3A_490], %swap3A_493 {strides = array<i32>} : memref<128x128xf32, #tpu.memory_space<vmem>>, vector<1x16xf32>,
        %get3A_494 = arith.index_cast %scan3A_410 : i32 to index
        %get3A_495 = arith.constant 48 : index
        %get3A_496 = tpu.vector_load %arg7[%get3A_494, %get3A_495] {strides = array<i32>} : memref<128x128xf32, #tpu.memory_space<vmem>>, vector<1x16xf32>,
        %get3A_497 = vector.shape_cast %get3A_496 : vector<1x16xf32> to vector<16xf32>
        %add3A_498 = arith.constant 64 : i32
        %add3A_499 = arith.addi %scan3A_410, %add3A_498 : i32
        %get3A_500 = arith.index_cast %add3A_499 : i32 to index
        %get3A_501 = arith.constant 48 : index
        %get3A_502 = tpu.vector_load %arg7[%get3A_500, %get3A_501] {strides = array<i32>} : memref<128x128xf32, #tpu.memory_space<vmem>>, vector<1x16xf32>,
        %get3A_503 = vector.shape_cast %get3A_502 : vector<1x16xf32> to vector<16xf32>
        %sub3A_504 = arith.subf %get3A_497, %get3A_503 : vector<16xf32>
        %mul3A_505 = arith.mulf %sub3A_504, %get3A_417 : vector<16xf32>
        %add3A_506 = arith.constant 64 : i32
        %add3A_507 = arith.addi %scan3A_410, %add3A_506 : i32
        %swap3A_508 = arith.index_cast %add3A_507 : i32 to index
        %swap3A_509 = arith.constant 48 : index
        %swap3A_510 = tpu.vector_load %arg7[%swap3A_508, %swap3A_509] {strides = array<i32>} : memref<128x128xf32, #tpu.memory_space<vmem>>, vector<1x16xf32>,
        %swap3A_511 = vector.shape_cast %swap3A_510 : vector<1x16xf32> to vector<16xf32>
        %swap3A_512 = vector.shape_cast %mul3A_505 : vector<16xf32> to vector<1x16xf32>
        tpu.vector_store %arg7[%swap3A_508, %swap3A_509], %swap3A_512 {strides = array<i32>} : memref<128x128xf32, #tpu.memory_space<vmem>>, vector<1x16xf32>,
        %mul3A_513 = arith.mulf %sub3A_504, %neg3A_419 : vector<16xf32>
        %swap3A_514 = arith.index_cast %scan3A_410 : i32 to index
        %swap3A_515 = arith.constant 48 : index
        %swap3A_516 = tpu.vector_load %arg7[%swap3A_514, %swap3A_515] {strides = array<i32>} : memref<128x128xf32, #tpu.memory_space<vmem>>, vector<1x16xf32>,
        %swap3A_517 = vector.shape_cast %swap3A_516 : vector<1x16xf32> to vector<16xf32>
        %swap3A_518 = vector.shape_cast %mul3A_513 : vector<16xf32> to vector<1x16xf32>
        tpu.vector_store %arg7[%swap3A_514, %swap3A_515], %swap3A_518 {strides = array<i32>} : memref<128x128xf32, #tpu.memory_space<vmem>>, vector<1x16xf32>,
        %get3A_519 = arith.index_cast %scan3A_410 : i32 to index
        %get3A_520 = arith.constant 64 : index
        %get3A_521 = tpu.vector_load %arg7[%get3A_519, %get3A_520] {strides = array<i32>} : memref<128x128xf32, #tpu.memory_space<vmem>>, vector<1x16xf32>,
        %get3A_522 = vector.shape_cast %get3A_521 : vector<1x16xf32> to vector<16xf32>
        %add3A_523 = arith.constant 64 : i32
        %add3A_524 = arith.addi %scan3A_410, %add3A_523 : i32
        %get3A_525 = arith.index_cast %add3A_524 : i32 to index
        %get3A_526 = arith.constant 64 : index
        %get3A_527 = tpu.vector_load %arg7[%get3A_525, %get3A_526] {strides = array<i32>} : memref<128x128xf32, #tpu.memory_space<vmem>>, vector<1x16xf32>,
        %get3A_528 = vector.shape_cast %get3A_527 : vector<1x16xf32> to vector<16xf32>
        %sub3A_529 = arith.subf %get3A_522, %get3A_528 : vector<16xf32>
        %mul3A_530 = arith.mulf %sub3A_529, %get3A_417 : vector<16xf32>
        %add3A_531 = arith.constant 64 : i32
        %add3A_532 = arith.addi %scan3A_410, %add3A_531 : i32
        %swap3A_533 = arith.index_cast %add3A_532 : i32 to index
        %swap3A_534 = arith.constant 64 : index
        %swap3A_535 = tpu.vector_load %arg7[%swap3A_533, %swap3A_534] {strides = array<i32>} : memref<128x128xf32, #tpu.memory_space<vmem>>, vector<1x16xf32>,
        %swap3A_536 = vector.shape_cast %swap3A_535 : vector<1x16xf32> to vector<16xf32>
        %swap3A_537 = vector.shape_cast %mul3A_530 : vector<16xf32> to vector<1x16xf32>
        tpu.vector_store %arg7[%swap3A_533, %swap3A_534], %swap3A_537 {strides = array<i32>} : memref<128x128xf32, #tpu.memory_space<vmem>>, vector<1x16xf32>,
        %mul3A_538 = arith.mulf %sub3A_529, %neg3A_419 : vector<16xf32>
        %swap3A_539 = arith.index_cast %scan3A_410 : i32 to index
        %swap3A_540 = arith.constant 64 : index
        %swap3A_541 = tpu.vector_load %arg7[%swap3A_539, %swap3A_540] {strides = array<i32>} : memref<128x128xf32, #tpu.memory_space<vmem>>, vector<1x16xf32>,
        %swap3A_542 = vector.shape_cast %swap3A_541 : vector<1x16xf32> to vector<16xf32>
        %swap3A_543 = vector.shape_cast %mul3A_538 : vector<16xf32> to vector<1x16xf32>
        tpu.vector_store %arg7[%swap3A_539, %swap3A_540], %swap3A_543 {strides = array<i32>} : memref<128x128xf32, #tpu.memory_space<vmem>>, vector<1x16xf32>,
        %get3A_544 = arith.index_cast %scan3A_410 : i32 to index
        %get3A_545 = arith.constant 80 : index
        %get3A_546 = tpu.vector_load %arg7[%get3A_544, %get3A_545] {strides = array<i32>} : memref<128x128xf32, #tpu.memory_space<vmem>>, vector<1x16xf32>,
        %get3A_547 = vector.shape_cast %get3A_546 : vector<1x16xf32> to vector<16xf32>
        %add3A_548 = arith.constant 64 : i32
        %add3A_549 = arith.addi %scan3A_410, %add3A_548 : i32
        %get3A_550 = arith.index_cast %add3A_549 : i32 to index
        %get3A_551 = arith.constant 80 : index
        %get3A_552 = tpu.vector_load %arg7[%get3A_550, %get3A_551] {strides = array<i32>} : memref<128x128xf32, #tpu.memory_space<vmem>>, vector<1x16xf32>,
        %get3A_553 = vector.shape_cast %get3A_552 : vector<1x16xf32> to vector<16xf32>
        %sub3A_554 = arith.subf %get3A_547, %get3A_553 : vector<16xf32>
        %mul3A_555 = arith.mulf %sub3A_554, %get3A_417 : vector<16xf32>
        %add3A_556 = arith.constant 64 : i32
        %add3A_557 = arith.addi %scan3A_410, %add3A_556 : i32
        %swap3A_558 = arith.index_cast %add3A_557 : i32 to index
        %swap3A_559 = arith.constant 80 : index
        %swap3A_560 = tpu.vector_load %arg7[%swap3A_558, %swap3A_559] {strides = array<i32>} : memref<128x128xf32, #tpu.memory_space<vmem>>, vector<1x16xf32>,
        %swap3A_561 = vector.shape_cast %swap3A_560 : vector<1x16xf32> to vector<16xf32>
        %swap3A_562 = vector.shape_cast %mul3A_555 : vector<16xf32> to vector<1x16xf32>
        tpu.vector_store %arg7[%swap3A_558, %swap3A_559], %swap3A_562 {strides = array<i32>} : memref<128x128xf32, #tpu.memory_space<vmem>>, vector<1x16xf32>,
        %mul3A_563 = arith.mulf %sub3A_554, %neg3A_419 : vector<16xf32>
        %swap3A_564 = arith.index_cast %scan3A_410 : i32 to index
        %swap3A_565 = arith.constant 80 : index
        %swap3A_566 = tpu.vector_load %arg7[%swap3A_564, %swap3A_565] {strides = array<i32>} : memref<128x128xf32, #tpu.memory_space<vmem>>, vector<1x16xf32>,
        %swap3A_567 = vector.shape_cast %swap3A_566 : vector<1x16xf32> to vector<16xf32>
        %swap3A_568 = vector.shape_cast %mul3A_563 : vector<16xf32> to vector<1x16xf32>
        tpu.vector_store %arg7[%swap3A_564, %swap3A_565], %swap3A_568 {strides = array<i32>} : memref<128x128xf32, #tpu.memory_space<vmem>>, vector<1x16xf32>,
        %get3A_569 = arith.index_cast %scan3A_410 : i32 to index
        %get3A_570 = arith.constant 96 : index
        %get3A_571 = tpu.vector_load %arg7[%get3A_569, %get3A_570] {strides = array<i32>} : memref<128x128xf32, #tpu.memory_space<vmem>>, vector<1x16xf32>,
        %get3A_572 = vector.shape_cast %get3A_571 : vector<1x16xf32> to vector<16xf32>
        %add3A_573 = arith.constant 64 : i32
        %add3A_574 = arith.addi %scan3A_410, %add3A_573 : i32
        %get3A_575 = arith.index_cast %add3A_574 : i32 to index
        %get3A_576 = arith.constant 96 : index
        %get3A_577 = tpu.vector_load %arg7[%get3A_575, %get3A_576] {strides = array<i32>} : memref<128x128xf32, #tpu.memory_space<vmem>>, vector<1x16xf32>,
        %get3A_578 = vector.shape_cast %get3A_577 : vector<1x16xf32> to vector<16xf32>
        %sub3A_579 = arith.subf %get3A_572, %get3A_578 : vector<16xf32>
        %mul3A_580 = arith.mulf %sub3A_579, %get3A_417 : vector<16xf32>
        %add3A_581 = arith.constant 64 : i32
        %add3A_582 = arith.addi %scan3A_410, %add3A_581 : i32
        %swap3A_583 = arith.index_cast %add3A_582 : i32 to index
        %swap3A_584 = arith.constant 96 : index
        %swap3A_585 = tpu.vector_load %arg7[%swap3A_583, %swap3A_584] {strides = array<i32>} : memref<128x128xf32, #tpu.memory_space<vmem>>, vector<1x16xf32>,
        %swap3A_586 = vector.shape_cast %swap3A_585 : vector<1x16xf32> to vector<16xf32>
        %swap3A_587 = vector.shape_cast %mul3A_580 : vector<16xf32> to vector<1x16xf32>
        tpu.vector_store %arg7[%swap3A_583, %swap3A_584], %swap3A_587 {strides = array<i32>} : memref<128x128xf32, #tpu.memory_space<vmem>>, vector<1x16xf32>,
        %mul3A_588 = arith.mulf %sub3A_579, %neg3A_419 : vector<16xf32>
        %swap3A_589 = arith.index_cast %scan3A_410 : i32 to index
        %swap3A_590 = arith.constant 96 : index
        %swap3A_591 = tpu.vector_load %arg7[%swap3A_589, %swap3A_590] {strides = array<i32>} : memref<128x128xf32, #tpu.memory_space<vmem>>, vector<1x16xf32>,
        %swap3A_592 = vector.shape_cast %swap3A_591 : vector<1x16xf32> to vector<16xf32>
        %swap3A_593 = vector.shape_cast %mul3A_588 : vector<16xf32> to vector<1x16xf32>
        tpu.vector_store %arg7[%swap3A_589, %swap3A_590], %swap3A_593 {strides = array<i32>} : memref<128x128xf32, #tpu.memory_space<vmem>>, vector<1x16xf32>,
        %get3A_594 = arith.index_cast %scan3A_410 : i32 to index
        %get3A_595 = arith.constant 112 : index
        %get3A_596 = tpu.vector_load %arg7[%get3A_594, %get3A_595] {strides = array<i32>} : memref<128x128xf32, #tpu.memory_space<vmem>>, vector<1x16xf32>,
        %get3A_597 = vector.shape_cast %get3A_596 : vector<1x16xf32> to vector<16xf32>
        %add3A_598 = arith.constant 64 : i32
        %add3A_599 = arith.addi %scan3A_410, %add3A_598 : i32
        %get3A_600 = arith.index_cast %add3A_599 : i32 to index
        %get3A_601 = arith.constant 112 : index
        %get3A_602 = tpu.vector_load %arg7[%get3A_600, %get3A_601] {strides = array<i32>} : memref<128x128xf32, #tpu.memory_space<vmem>>, vector<1x16xf32>,
        %get3A_603 = vector.shape_cast %get3A_602 : vector<1x16xf32> to vector<16xf32>
        %sub3A_604 = arith.subf %get3A_597, %get3A_603 : vector<16xf32>
        %mul3A_605 = arith.mulf %sub3A_604, %get3A_417 : vector<16xf32>
        %add3A_606 = arith.constant 64 : i32
        %add3A_607 = arith.addi %scan3A_410, %add3A_606 : i32
        %swap3A_608 = arith.index_cast %add3A_607 : i32 to index
        %swap3A_609 = arith.constant 112 : index
        %swap3A_610 = tpu.vector_load %arg7[%swap3A_608, %swap3A_609] {strides = array<i32>} : memref<128x128xf32, #tpu.memory_space<vmem>>, vector<1x16xf32>,
        %swap3A_611 = vector.shape_cast %swap3A_610 : vector<1x16xf32> to vector<16xf32>
        %swap3A_612 = vector.shape_cast %mul3A_605 : vector<16xf32> to vector<1x16xf32>
        tpu.vector_store %arg7[%swap3A_608, %swap3A_609], %swap3A_612 {strides = array<i32>} : memref<128x128xf32, #tpu.memory_space<vmem>>, vector<1x16xf32>,
        %mul3A_613 = arith.mulf %sub3A_604, %neg3A_419 : vector<16xf32>
        %swap3A_614 = arith.index_cast %scan3A_410 : i32 to index
        %swap3A_615 = arith.constant 112 : index
        %swap3A_616 = tpu.vector_load %arg7[%swap3A_614, %swap3A_615] {strides = array<i32>} : memref<128x128xf32, #tpu.memory_space<vmem>>, vector<1x16xf32>,
        %swap3A_617 = vector.shape_cast %swap3A_616 : vector<1x16xf32> to vector<16xf32>
        %swap3A_618 = vector.shape_cast %mul3A_613 : vector<16xf32> to vector<1x16xf32>
        tpu.vector_store %arg7[%swap3A_614, %swap3A_615], %swap3A_618 {strides = array<i32>} : memref<128x128xf32, #tpu.memory_space<vmem>>, vector<1x16xf32>,
      }
      %scan3A_267 = arith.constant 64 : i32
      %dma_start3A_268 = arith.constant 0 : i32
      %dma_start3A_269 = arith.constant 0 : i32
      %dma_start3A_270 = tpu.memref_slice %arg6[%dma_start3A_268, %dma_start3A_269] : memref<10112x128xf32, #tpu.memory_space<vmem_shared>> -> memref<10112x128xf32, #tpu.memory_space<vmem_shared>>
      tpu.enqueue_indirect_dma source(%arg7 : memref<128x128xf32, #tpu.memory_space<vmem>>) target(%dma_start3A_270 : memref<10112x128xf32, #tpu.memory_space<vmem_shared>>) offsets(%arg9 : memref<128xi32, #tpu.memory_space<vmem>>) semaphore(%arg17 : memref<!tpu.dma_semaphore, #tpu.memory_space<semaphore_mem>>) {add = true}
      %dma_wait3A_271 = arith.constant 0 : i32
      %dma_wait3A_272 = arith.constant 0 : i32
      %dma_wait3A_273 = tpu.memref_slice %arg6[%dma_wait3A_271, %dma_wait3A_272] : memref<10112x128xf32, #tpu.memory_space<vmem_shared>> -> memref<10112x128xf32, #tpu.memory_space<vmem_shared>>
      tpu.wait_indirect_dma semaphore(%arg17 : memref<!tpu.dma_semaphore, #tpu.memory_space<semaphore_mem>>) src(%arg7 : memref<128x128xf32, #tpu.memory_space<vmem>>) dst(%dma_wait3A_273 : memref<10112x128xf32, #tpu.memory_space<vmem_shared>>)
      %mul3A_274 = arith.constant 2 : i32
      %mul3A_275 = arith.muli %mul3A_274, %scan3A_131 : i32
      %add3A_276 = arith.addi %mul3A_2, %mul3A_275 : i32
      %add3A_277 = arith.constant 1 : i32
      %add3A_278 = arith.addi %add3A_276, %add3A_277 : i32
      %add3A_279 = arith.constant 1 : i32
      %add3A_280 = arith.addi %add3A_278, %add3A_279 : i32
      %mul3A_281 = arith.constant 1280 : i32
      %mul3A_282 = arith.muli %add3A_280, %mul3A_281 : i32
      "tpu.region"() ({
        %run_scoped3A = tpu.sem_alloc : memref<!tpu.dma_semaphore, #tpu.memory_space<semaphore_mem>>
        %dma_start3A_410 = tpu.memref_slice %arg3[%mul3A_282] : memref<6432000xf32, #tpu.memory_space<hbm>> -> memref<1280xf32, #tpu.memory_space<hbm>>
        %dma_start3A_411 = tpu.memref_slice %arg3[%mul3A_282] : memref<6432000xf32, #tpu.memory_space<hbm>> -> memref<1280xf32, #tpu.memory_space<hbm>>
        tpu.enqueue_dma source(%dma_start3A_411 : memref<1280xf32, #tpu.memory_space<hbm>>) target(%arg13 : memref<1280xf32, #tpu.memory_space<vmem>>) target_semaphore(%run_scoped3A : memref<!tpu.dma_semaphore, #tpu.memory_space<semaphore_mem>>)
        %dma_wait3A_412 = tpu.memref_slice %arg3[%mul3A_282] : memref<6432000xf32, #tpu.memory_space<hbm>> -> memref<1280xf32, #tpu.memory_space<hbm>>
        %dma_wait3A_413 = tpu.memref_slice %arg3[%mul3A_282] : memref<6432000xf32, #tpu.memory_space<hbm>> -> memref<1280xf32, #tpu.memory_space<hbm>>
        tpu.wait_dma2 semaphore(%run_scoped3A : memref<!tpu.dma_semaphore, #tpu.memory_space<semaphore_mem>>) src(%dma_wait3A_413 : memref<1280xf32, #tpu.memory_space<hbm>>) dst(%arg13 : memref<1280xf32, #tpu.memory_space<vmem>>)
        tpu.yield
      }) : () -> ()
      %get3A_283 = arith.constant 0 : index
      %get3A_284 = tpu.vector_load %arg13[%get3A_283] {strides = array<i32>} : memref<1280xf32, #tpu.memory_space<vmem>>, vector<16xf32>,
      %get3A_285 = vector.shape_cast %get3A_284 : vector<16xf32> to vector<16xf32>
      %convert_element_type3A_286 = arith.fptosi %get3A_285 : vector<16xf32> to vector<16xi32>
      %swap3A_287 = arith.constant 0 : index
      %swap3A_288 = tpu.vector_load %arg9[%swap3A_287] {strides = array<i32>} : memref<128xi32, #tpu.memory_space<vmem>>, vector<16xi32>,
      %swap3A_289 = vector.shape_cast %swap3A_288 : vector<16xi32> to vector<16xi32>
      %swap3A_290 = vector.shape_cast %convert_element_type3A_286 : vector<16xi32> to vector<16xi32>
      tpu.vector_store %arg9[%swap3A_287], %swap3A_290 {strides = array<i32>} : memref<128xi32, #tpu.memory_space<vmem>>, vector<16xi32>,
      %add3A_291 = vector.broadcast %mul3A_0 : i32 to vector<16xi32>
      %add3A_292 = arith.addi %convert_element_type3A_286, %add3A_291 : vector<16xi32>
      %swap3A_293 = arith.constant 0 : index
      %swap3A_294 = tpu.vector_load %arg11[%swap3A_293] {strides = array<i32>} : memref<128xi32, #tpu.memory_space<vmem>>, vector<16xi32>,
      %swap3A_295 = vector.shape_cast %swap3A_294 : vector<16xi32> to vector<16xi32>
      %swap3A_296 = vector.shape_cast %add3A_292 : vector<16xi32> to vector<16xi32>
      tpu.vector_store %arg11[%swap3A_293], %swap3A_296 {strides = array<i32>} : memref<128xi32, #tpu.memory_space<vmem>>, vector<16xi32>,
      %get3A_297 = arith.constant 16 : index
      %get3A_298 = tpu.vector_load %arg13[%get3A_297] {strides = array<i32>} : memref<1280xf32, #tpu.memory_space<vmem>>, vector<16xf32>,
      %get3A_299 = vector.shape_cast %get3A_298 : vector<16xf32> to vector<16xf32>
      %convert_element_type3A_300 = arith.fptosi %get3A_299 : vector<16xf32> to vector<16xi32>
      %swap3A_301 = arith.constant 16 : index
      %swap3A_302 = tpu.vector_load %arg9[%swap3A_301] {strides = array<i32>} : memref<128xi32, #tpu.memory_space<vmem>>, vector<16xi32>,
      %swap3A_303 = vector.shape_cast %swap3A_302 : vector<16xi32> to vector<16xi32>
      %swap3A_304 = vector.shape_cast %convert_element_type3A_300 : vector<16xi32> to vector<16xi32>
      tpu.vector_store %arg9[%swap3A_301], %swap3A_304 {strides = array<i32>} : memref<128xi32, #tpu.memory_space<vmem>>, vector<16xi32>,
      %add3A_305 = vector.broadcast %mul3A_0 : i32 to vector<16xi32>
      %add3A_306 = arith.addi %convert_element_type3A_300, %add3A_305 : vector<16xi32>
      %swap3A_307 = arith.constant 16 : index
      %swap3A_308 = tpu.vector_load %arg11[%swap3A_307] {strides = array<i32>} : memref<128xi32, #tpu.memory_space<vmem>>, vector<16xi32>,
      %swap3A_309 = vector.shape_cast %swap3A_308 : vector<16xi32> to vector<16xi32>
      %swap3A_310 = vector.shape_cast %add3A_306 : vector<16xi32> to vector<16xi32>
      tpu.vector_store %arg11[%swap3A_307], %swap3A_310 {strides = array<i32>} : memref<128xi32, #tpu.memory_space<vmem>>, vector<16xi32>,
      %get3A_311 = arith.constant 32 : index
      %get3A_312 = tpu.vector_load %arg13[%get3A_311] {strides = array<i32>} : memref<1280xf32, #tpu.memory_space<vmem>>, vector<16xf32>,
      %get3A_313 = vector.shape_cast %get3A_312 : vector<16xf32> to vector<16xf32>
      %convert_element_type3A_314 = arith.fptosi %get3A_313 : vector<16xf32> to vector<16xi32>
      %swap3A_315 = arith.constant 32 : index
      %swap3A_316 = tpu.vector_load %arg9[%swap3A_315] {strides = array<i32>} : memref<128xi32, #tpu.memory_space<vmem>>, vector<16xi32>,
      %swap3A_317 = vector.shape_cast %swap3A_316 : vector<16xi32> to vector<16xi32>
      %swap3A_318 = vector.shape_cast %convert_element_type3A_314 : vector<16xi32> to vector<16xi32>
      tpu.vector_store %arg9[%swap3A_315], %swap3A_318 {strides = array<i32>} : memref<128xi32, #tpu.memory_space<vmem>>, vector<16xi32>,
      %add3A_319 = vector.broadcast %mul3A_0 : i32 to vector<16xi32>
      %add3A_320 = arith.addi %convert_element_type3A_314, %add3A_319 : vector<16xi32>
      %swap3A_321 = arith.constant 32 : index
      %swap3A_322 = tpu.vector_load %arg11[%swap3A_321] {strides = array<i32>} : memref<128xi32, #tpu.memory_space<vmem>>, vector<16xi32>,
      %swap3A_323 = vector.shape_cast %swap3A_322 : vector<16xi32> to vector<16xi32>
      %swap3A_324 = vector.shape_cast %add3A_320 : vector<16xi32> to vector<16xi32>
      tpu.vector_store %arg11[%swap3A_321], %swap3A_324 {strides = array<i32>} : memref<128xi32, #tpu.memory_space<vmem>>, vector<16xi32>,
      %get3A_325 = arith.constant 48 : index
      %get3A_326 = tpu.vector_load %arg13[%get3A_325] {strides = array<i32>} : memref<1280xf32, #tpu.memory_space<vmem>>, vector<16xf32>,
      %get3A_327 = vector.shape_cast %get3A_326 : vector<16xf32> to vector<16xf32>
      %convert_element_type3A_328 = arith.fptosi %get3A_327 : vector<16xf32> to vector<16xi32>
      %swap3A_329 = arith.constant 48 : index
      %swap3A_330 = tpu.vector_load %arg9[%swap3A_329] {strides = array<i32>} : memref<128xi32, #tpu.memory_space<vmem>>, vector<16xi32>,
      %swap3A_331 = vector.shape_cast %swap3A_330 : vector<16xi32> to vector<16xi32>
      %swap3A_332 = vector.shape_cast %convert_element_type3A_328 : vector<16xi32> to vector<16xi32>
      tpu.vector_store %arg9[%swap3A_329], %swap3A_332 {strides = array<i32>} : memref<128xi32, #tpu.memory_space<vmem>>, vector<16xi32>,
      %add3A_333 = vector.broadcast %mul3A_0 : i32 to vector<16xi32>
      %add3A_334 = arith.addi %convert_element_type3A_328, %add3A_333 : vector<16xi32>
      %swap3A_335 = arith.constant 48 : index
      %swap3A_336 = tpu.vector_load %arg11[%swap3A_335] {strides = array<i32>} : memref<128xi32, #tpu.memory_space<vmem>>, vector<16xi32>,
      %swap3A_337 = vector.shape_cast %swap3A_336 : vector<16xi32> to vector<16xi32>
      %swap3A_338 = vector.shape_cast %add3A_334 : vector<16xi32> to vector<16xi32>
      tpu.vector_store %arg11[%swap3A_335], %swap3A_338 {strides = array<i32>} : memref<128xi32, #tpu.memory_space<vmem>>, vector<16xi32>,
      %get3A_339 = arith.constant 64 : index
      %get3A_340 = tpu.vector_load %arg13[%get3A_339] {strides = array<i32>} : memref<1280xf32, #tpu.memory_space<vmem>>, vector<16xf32>,
      %get3A_341 = vector.shape_cast %get3A_340 : vector<16xf32> to vector<16xf32>
      %convert_element_type3A_342 = arith.fptosi %get3A_341 : vector<16xf32> to vector<16xi32>
      %swap3A_343 = arith.constant 64 : index
      %swap3A_344 = tpu.vector_load %arg9[%swap3A_343] {strides = array<i32>} : memref<128xi32, #tpu.memory_space<vmem>>, vector<16xi32>,
      %swap3A_345 = vector.shape_cast %swap3A_344 : vector<16xi32> to vector<16xi32>
      %swap3A_346 = vector.shape_cast %convert_element_type3A_342 : vector<16xi32> to vector<16xi32>
      tpu.vector_store %arg9[%swap3A_343], %swap3A_346 {strides = array<i32>} : memref<128xi32, #tpu.memory_space<vmem>>, vector<16xi32>,
      %add3A_347 = vector.broadcast %mul3A_0 : i32 to vector<16xi32>
      %add3A_348 = arith.addi %convert_element_type3A_342, %add3A_347 : vector<16xi32>
      %swap3A_349 = arith.constant 64 : index
      %swap3A_350 = tpu.vector_load %arg11[%swap3A_349] {strides = array<i32>} : memref<128xi32, #tpu.memory_space<vmem>>, vector<16xi32>,
      %swap3A_351 = vector.shape_cast %swap3A_350 : vector<16xi32> to vector<16xi32>
      %swap3A_352 = vector.shape_cast %add3A_348 : vector<16xi32> to vector<16xi32>
      tpu.vector_store %arg11[%swap3A_349], %swap3A_352 {strides = array<i32>} : memref<128xi32, #tpu.memory_space<vmem>>, vector<16xi32>,
      %get3A_353 = arith.constant 80 : index
      %get3A_354 = tpu.vector_load %arg13[%get3A_353] {strides = array<i32>} : memref<1280xf32, #tpu.memory_space<vmem>>, vector<16xf32>,
      %get3A_355 = vector.shape_cast %get3A_354 : vector<16xf32> to vector<16xf32>
      %convert_element_type3A_356 = arith.fptosi %get3A_355 : vector<16xf32> to vector<16xi32>
      %swap3A_357 = arith.constant 80 : index
      %swap3A_358 = tpu.vector_load %arg9[%swap3A_357] {strides = array<i32>} : memref<128xi32, #tpu.memory_space<vmem>>, vector<16xi32>,
      %swap3A_359 = vector.shape_cast %swap3A_358 : vector<16xi32> to vector<16xi32>
      %swap3A_360 = vector.shape_cast %convert_element_type3A_356 : vector<16xi32> to vector<16xi32>
      tpu.vector_store %arg9[%swap3A_357], %swap3A_360 {strides = array<i32>} : memref<128xi32, #tpu.memory_space<vmem>>, vector<16xi32>,
      %add3A_361 = vector.broadcast %mul3A_0 : i32 to vector<16xi32>
      %add3A_362 = arith.addi %convert_element_type3A_356, %add3A_361 : vector<16xi32>
      %swap3A_363 = arith.constant 80 : index
      %swap3A_364 = tpu.vector_load %arg11[%swap3A_363] {strides = array<i32>} : memref<128xi32, #tpu.memory_space<vmem>>, vector<16xi32>,
      %swap3A_365 = vector.shape_cast %swap3A_364 : vector<16xi32> to vector<16xi32>
      %swap3A_366 = vector.shape_cast %add3A_362 : vector<16xi32> to vector<16xi32>
      tpu.vector_store %arg11[%swap3A_363], %swap3A_366 {strides = array<i32>} : memref<128xi32, #tpu.memory_space<vmem>>, vector<16xi32>,
      %get3A_367 = arith.constant 96 : index
      %get3A_368 = tpu.vector_load %arg13[%get3A_367] {strides = array<i32>} : memref<1280xf32, #tpu.memory_space<vmem>>, vector<16xf32>,
      %get3A_369 = vector.shape_cast %get3A_368 : vector<16xf32> to vector<16xf32>
      %convert_element_type3A_370 = arith.fptosi %get3A_369 : vector<16xf32> to vector<16xi32>
      %swap3A_371 = arith.constant 96 : index
      %swap3A_372 = tpu.vector_load %arg9[%swap3A_371] {strides = array<i32>} : memref<128xi32, #tpu.memory_space<vmem>>, vector<16xi32>,
      %swap3A_373 = vector.shape_cast %swap3A_372 : vector<16xi32> to vector<16xi32>
      %swap3A_374 = vector.shape_cast %convert_element_type3A_370 : vector<16xi32> to vector<16xi32>
      tpu.vector_store %arg9[%swap3A_371], %swap3A_374 {strides = array<i32>} : memref<128xi32, #tpu.memory_space<vmem>>, vector<16xi32>,
      %add3A_375 = vector.broadcast %mul3A_0 : i32 to vector<16xi32>
      %add3A_376 = arith.addi %convert_element_type3A_370, %add3A_375 : vector<16xi32>
      %swap3A_377 = arith.constant 96 : index
      %swap3A_378 = tpu.vector_load %arg11[%swap3A_377] {strides = array<i32>} : memref<128xi32, #tpu.memory_space<vmem>>, vector<16xi32>,
      %swap3A_379 = vector.shape_cast %swap3A_378 : vector<16xi32> to vector<16xi32>
      %swap3A_380 = vector.shape_cast %add3A_376 : vector<16xi32> to vector<16xi32>
      tpu.vector_store %arg11[%swap3A_377], %swap3A_380 {strides = array<i32>} : memref<128xi32, #tpu.memory_space<vmem>>, vector<16xi32>,
      %get3A_381 = arith.constant 112 : index
      %get3A_382 = tpu.vector_load %arg13[%get3A_381] {strides = array<i32>} : memref<1280xf32, #tpu.memory_space<vmem>>, vector<16xf32>,
      %get3A_383 = vector.shape_cast %get3A_382 : vector<16xf32> to vector<16xf32>
      %convert_element_type3A_384 = arith.fptosi %get3A_383 : vector<16xf32> to vector<16xi32>
      %swap3A_385 = arith.constant 112 : index
      %swap3A_386 = tpu.vector_load %arg9[%swap3A_385] {strides = array<i32>} : memref<128xi32, #tpu.memory_space<vmem>>, vector<16xi32>,
      %swap3A_387 = vector.shape_cast %swap3A_386 : vector<16xi32> to vector<16xi32>
      %swap3A_388 = vector.shape_cast %convert_element_type3A_384 : vector<16xi32> to vector<16xi32>
      tpu.vector_store %arg9[%swap3A_385], %swap3A_388 {strides = array<i32>} : memref<128xi32, #tpu.memory_space<vmem>>, vector<16xi32>,
      %add3A_389 = vector.broadcast %mul3A_0 : i32 to vector<16xi32>
      %add3A_390 = arith.addi %convert_element_type3A_384, %add3A_389 : vector<16xi32>
      %swap3A_391 = arith.constant 112 : index
      %swap3A_392 = tpu.vector_load %arg11[%swap3A_391] {strides = array<i32>} : memref<128xi32, #tpu.memory_space<vmem>>, vector<16xi32>,
      %swap3A_393 = vector.shape_cast %swap3A_392 : vector<16xi32> to vector<16xi32>
      %swap3A_394 = vector.shape_cast %add3A_390 : vector<16xi32> to vector<16xi32>
      tpu.vector_store %arg11[%swap3A_391], %swap3A_394 {strides = array<i32>} : memref<128xi32, #tpu.memory_space<vmem>>, vector<16xi32>,
      %dma_start3A_395 = arith.constant 0 : i32
      %dma_start3A_396 = arith.constant 0 : i32
      %dma_start3A_397 = tpu.memref_slice %arg2[%dma_start3A_395, %dma_start3A_396] : memref<20000x128xf32, #tpu.memory_space<hbm>> -> memref<20000x128xf32, #tpu.memory_space<hbm>>
      tpu.enqueue_indirect_dma source(%dma_start3A_397 : memref<20000x128xf32, #tpu.memory_space<hbm>>) target(%arg7 : memref<128x128xf32, #tpu.memory_space<vmem>>) offsets(%arg11 : memref<128xi32, #tpu.memory_space<vmem>>) semaphore(%arg15 : memref<!tpu.dma_semaphore, #tpu.memory_space<semaphore_mem>>)
      %dma_wait3A_398 = arith.constant 0 : i32
      %dma_wait3A_399 = arith.constant 0 : i32
      %dma_wait3A_400 = tpu.memref_slice %arg2[%dma_wait3A_398, %dma_wait3A_399] : memref<20000x128xf32, #tpu.memory_space<hbm>> -> memref<20000x128xf32, #tpu.memory_space<hbm>>
      tpu.wait_indirect_dma semaphore(%arg16 : memref<!tpu.dma_semaphore, #tpu.memory_space<semaphore_mem>>) src(%dma_wait3A_400 : memref<20000x128xf32, #tpu.memory_space<hbm>>) dst(%arg8 : memref<128x128xf32, #tpu.memory_space<vmem>>)
      %scan3A_401 = arith.constant 0 : i32
      %scan3A_402 = arith.constant 0 : i32
      %scan3A_403 = arith.constant 64 : i32
      %scan3A_404 = arith.addi %scan3A_402, %scan3A_403 : i32
      %scan3A_405 = arith.constant 1 : i32
      scf.for %scan3A_410 = %scan3A_402 to %scan3A_404 step %scan3A_405  : i32 {
        %mul3A_411 = arith.constant 16 : i32
        %mul3A_412 = arith.muli %scan3A_410, %mul3A_411 : i32
        %add3A_413 = arith.constant 128 : i32
        %add3A_414 = arith.addi %add3A_413, %mul3A_412 : i32
        %get3A_415 = arith.index_cast %add3A_414 : i32 to index
        %get3A_416 = tpu.vector_load %arg14[%get3A_415] {strides = array<i32>} : memref<1280xf32, #tpu.memory_space<vmem>>, vector<16xf32>,
        %get3A_417 = vector.shape_cast %get3A_416 : vector<16xf32> to vector<16xf32>
        %neg3A = arith.constant 0.000000e+00 : f32
        %neg3A_418 = vector.broadcast %neg3A : f32 to vector<16xf32>
        %neg3A_419 = arith.subf %neg3A_418, %get3A_417 : vector<16xf32>
        %get3A_420 = arith.index_cast %scan3A_410 : i32 to index
        %get3A_421 = arith.constant 0 : index
        %get3A_422 = tpu.vector_load %arg8[%get3A_420, %get3A_421] {strides = array<i32>} : memref<128x128xf32, #tpu.memory_space<vmem>>, vector<1x16xf32>,
        %get3A_423 = vector.shape_cast %get3A_422 : vector<1x16xf32> to vector<16xf32>
        %add3A_424 = arith.constant 64 : i32
        %add3A_425 = arith.addi %scan3A_410, %add3A_424 : i32
        %get3A_426 = arith.index_cast %add3A_425 : i32 to index
        %get3A_427 = arith.constant 0 : index
        %get3A_428 = tpu.vector_load %arg8[%get3A_426, %get3A_427] {strides = array<i32>} : memref<128x128xf32, #tpu.memory_space<vmem>>, vector<1x16xf32>,
        %get3A_429 = vector.shape_cast %get3A_428 : vector<1x16xf32> to vector<16xf32>
        %sub3A = arith.subf %get3A_423, %get3A_429 : vector<16xf32>
        %mul3A_430 = arith.mulf %sub3A, %get3A_417 : vector<16xf32>
        %add3A_431 = arith.constant 64 : i32
        %add3A_432 = arith.addi %scan3A_410, %add3A_431 : i32
        %swap3A_433 = arith.index_cast %add3A_432 : i32 to index
        %swap3A_434 = arith.constant 0 : index
        %swap3A_435 = tpu.vector_load %arg8[%swap3A_433, %swap3A_434] {strides = array<i32>} : memref<128x128xf32, #tpu.memory_space<vmem>>, vector<1x16xf32>,
        %swap3A_436 = vector.shape_cast %swap3A_435 : vector<1x16xf32> to vector<16xf32>
        %swap3A_437 = vector.shape_cast %mul3A_430 : vector<16xf32> to vector<1x16xf32>
        tpu.vector_store %arg8[%swap3A_433, %swap3A_434], %swap3A_437 {strides = array<i32>} : memref<128x128xf32, #tpu.memory_space<vmem>>, vector<1x16xf32>,
        %mul3A_438 = arith.mulf %sub3A, %neg3A_419 : vector<16xf32>
        %swap3A_439 = arith.index_cast %scan3A_410 : i32 to index
        %swap3A_440 = arith.constant 0 : index
        %swap3A_441 = tpu.vector_load %arg8[%swap3A_439, %swap3A_440] {strides = array<i32>} : memref<128x128xf32, #tpu.memory_space<vmem>>, vector<1x16xf32>,
        %swap3A_442 = vector.shape_cast %swap3A_441 : vector<1x16xf32> to vector<16xf32>
        %swap3A_443 = vector.shape_cast %mul3A_438 : vector<16xf32> to vector<1x16xf32>
        tpu.vector_store %arg8[%swap3A_439, %swap3A_440], %swap3A_443 {strides = array<i32>} : memref<128x128xf32, #tpu.memory_space<vmem>>, vector<1x16xf32>,
        %get3A_444 = arith.index_cast %scan3A_410 : i32 to index
        %get3A_445 = arith.constant 16 : index
        %get3A_446 = tpu.vector_load %arg8[%get3A_444, %get3A_445] {strides = array<i32>} : memref<128x128xf32, #tpu.memory_space<vmem>>, vector<1x16xf32>,
        %get3A_447 = vector.shape_cast %get3A_446 : vector<1x16xf32> to vector<16xf32>
        %add3A_448 = arith.constant 64 : i32
        %add3A_449 = arith.addi %scan3A_410, %add3A_448 : i32
        %get3A_450 = arith.index_cast %add3A_449 : i32 to index
        %get3A_451 = arith.constant 16 : index
        %get3A_452 = tpu.vector_load %arg8[%get3A_450, %get3A_451] {strides = array<i32>} : memref<128x128xf32, #tpu.memory_space<vmem>>, vector<1x16xf32>,
        %get3A_453 = vector.shape_cast %get3A_452 : vector<1x16xf32> to vector<16xf32>
        %sub3A_454 = arith.subf %get3A_447, %get3A_453 : vector<16xf32>
        %mul3A_455 = arith.mulf %sub3A_454, %get3A_417 : vector<16xf32>
        %add3A_456 = arith.constant 64 : i32
        %add3A_457 = arith.addi %scan3A_410, %add3A_456 : i32
        %swap3A_458 = arith.index_cast %add3A_457 : i32 to index
        %swap3A_459 = arith.constant 16 : index
        %swap3A_460 = tpu.vector_load %arg8[%swap3A_458, %swap3A_459] {strides = array<i32>} : memref<128x128xf32, #tpu.memory_space<vmem>>, vector<1x16xf32>,
        %swap3A_461 = vector.shape_cast %swap3A_460 : vector<1x16xf32> to vector<16xf32>
        %swap3A_462 = vector.shape_cast %mul3A_455 : vector<16xf32> to vector<1x16xf32>
        tpu.vector_store %arg8[%swap3A_458, %swap3A_459], %swap3A_462 {strides = array<i32>} : memref<128x128xf32, #tpu.memory_space<vmem>>, vector<1x16xf32>,
        %mul3A_463 = arith.mulf %sub3A_454, %neg3A_419 : vector<16xf32>
        %swap3A_464 = arith.index_cast %scan3A_410 : i32 to index
        %swap3A_465 = arith.constant 16 : index
        %swap3A_466 = tpu.vector_load %arg8[%swap3A_464, %swap3A_465] {strides = array<i32>} : memref<128x128xf32, #tpu.memory_space<vmem>>, vector<1x16xf32>,
        %swap3A_467 = vector.shape_cast %swap3A_466 : vector<1x16xf32> to vector<16xf32>
        %swap3A_468 = vector.shape_cast %mul3A_463 : vector<16xf32> to vector<1x16xf32>
        tpu.vector_store %arg8[%swap3A_464, %swap3A_465], %swap3A_468 {strides = array<i32>} : memref<128x128xf32, #tpu.memory_space<vmem>>, vector<1x16xf32>,
        %get3A_469 = arith.index_cast %scan3A_410 : i32 to index
        %get3A_470 = arith.constant 32 : index
        %get3A_471 = tpu.vector_load %arg8[%get3A_469, %get3A_470] {strides = array<i32>} : memref<128x128xf32, #tpu.memory_space<vmem>>, vector<1x16xf32>,
        %get3A_472 = vector.shape_cast %get3A_471 : vector<1x16xf32> to vector<16xf32>
        %add3A_473 = arith.constant 64 : i32
        %add3A_474 = arith.addi %scan3A_410, %add3A_473 : i32
        %get3A_475 = arith.index_cast %add3A_474 : i32 to index
        %get3A_476 = arith.constant 32 : index
        %get3A_477 = tpu.vector_load %arg8[%get3A_475, %get3A_476] {strides = array<i32>} : memref<128x128xf32, #tpu.memory_space<vmem>>, vector<1x16xf32>,
        %get3A_478 = vector.shape_cast %get3A_477 : vector<1x16xf32> to vector<16xf32>
        %sub3A_479 = arith.subf %get3A_472, %get3A_478 : vector<16xf32>
        %mul3A_480 = arith.mulf %sub3A_479, %get3A_417 : vector<16xf32>
        %add3A_481 = arith.constant 64 : i32
        %add3A_482 = arith.addi %scan3A_410, %add3A_481 : i32
        %swap3A_483 = arith.index_cast %add3A_482 : i32 to index
        %swap3A_484 = arith.constant 32 : index
        %swap3A_485 = tpu.vector_load %arg8[%swap3A_483, %swap3A_484] {strides = array<i32>} : memref<128x128xf32, #tpu.memory_space<vmem>>, vector<1x16xf32>,
        %swap3A_486 = vector.shape_cast %swap3A_485 : vector<1x16xf32> to vector<16xf32>
        %swap3A_487 = vector.shape_cast %mul3A_480 : vector<16xf32> to vector<1x16xf32>
        tpu.vector_store %arg8[%swap3A_483, %swap3A_484], %swap3A_487 {strides = array<i32>} : memref<128x128xf32, #tpu.memory_space<vmem>>, vector<1x16xf32>,
        %mul3A_488 = arith.mulf %sub3A_479, %neg3A_419 : vector<16xf32>
        %swap3A_489 = arith.index_cast %scan3A_410 : i32 to index
        %swap3A_490 = arith.constant 32 : index
        %swap3A_491 = tpu.vector_load %arg8[%swap3A_489, %swap3A_490] {strides = array<i32>} : memref<128x128xf32, #tpu.memory_space<vmem>>, vector<1x16xf32>,
        %swap3A_492 = vector.shape_cast %swap3A_491 : vector<1x16xf32> to vector<16xf32>
        %swap3A_493 = vector.shape_cast %mul3A_488 : vector<16xf32> to vector<1x16xf32>
        tpu.vector_store %arg8[%swap3A_489, %swap3A_490], %swap3A_493 {strides = array<i32>} : memref<128x128xf32, #tpu.memory_space<vmem>>, vector<1x16xf32>,
        %get3A_494 = arith.index_cast %scan3A_410 : i32 to index
        %get3A_495 = arith.constant 48 : index
        %get3A_496 = tpu.vector_load %arg8[%get3A_494, %get3A_495] {strides = array<i32>} : memref<128x128xf32, #tpu.memory_space<vmem>>, vector<1x16xf32>,
        %get3A_497 = vector.shape_cast %get3A_496 : vector<1x16xf32> to vector<16xf32>
        %add3A_498 = arith.constant 64 : i32
        %add3A_499 = arith.addi %scan3A_410, %add3A_498 : i32
        %get3A_500 = arith.index_cast %add3A_499 : i32 to index
        %get3A_501 = arith.constant 48 : index
        %get3A_502 = tpu.vector_load %arg8[%get3A_500, %get3A_501] {strides = array<i32>} : memref<128x128xf32, #tpu.memory_space<vmem>>, vector<1x16xf32>,
        %get3A_503 = vector.shape_cast %get3A_502 : vector<1x16xf32> to vector<16xf32>
        %sub3A_504 = arith.subf %get3A_497, %get3A_503 : vector<16xf32>
        %mul3A_505 = arith.mulf %sub3A_504, %get3A_417 : vector<16xf32>
        %add3A_506 = arith.constant 64 : i32
        %add3A_507 = arith.addi %scan3A_410, %add3A_506 : i32
        %swap3A_508 = arith.index_cast %add3A_507 : i32 to index
        %swap3A_509 = arith.constant 48 : index
        %swap3A_510 = tpu.vector_load %arg8[%swap3A_508, %swap3A_509] {strides = array<i32>} : memref<128x128xf32, #tpu.memory_space<vmem>>, vector<1x16xf32>,
        %swap3A_511 = vector.shape_cast %swap3A_510 : vector<1x16xf32> to vector<16xf32>
        %swap3A_512 = vector.shape_cast %mul3A_505 : vector<16xf32> to vector<1x16xf32>
        tpu.vector_store %arg8[%swap3A_508, %swap3A_509], %swap3A_512 {strides = array<i32>} : memref<128x128xf32, #tpu.memory_space<vmem>>, vector<1x16xf32>,
        %mul3A_513 = arith.mulf %sub3A_504, %neg3A_419 : vector<16xf32>
        %swap3A_514 = arith.index_cast %scan3A_410 : i32 to index
        %swap3A_515 = arith.constant 48 : index
        %swap3A_516 = tpu.vector_load %arg8[%swap3A_514, %swap3A_515] {strides = array<i32>} : memref<128x128xf32, #tpu.memory_space<vmem>>, vector<1x16xf32>,
        %swap3A_517 = vector.shape_cast %swap3A_516 : vector<1x16xf32> to vector<16xf32>
        %swap3A_518 = vector.shape_cast %mul3A_513 : vector<16xf32> to vector<1x16xf32>
        tpu.vector_store %arg8[%swap3A_514, %swap3A_515], %swap3A_518 {strides = array<i32>} : memref<128x128xf32, #tpu.memory_space<vmem>>, vector<1x16xf32>,
        %get3A_519 = arith.index_cast %scan3A_410 : i32 to index
        %get3A_520 = arith.constant 64 : index
        %get3A_521 = tpu.vector_load %arg8[%get3A_519, %get3A_520] {strides = array<i32>} : memref<128x128xf32, #tpu.memory_space<vmem>>, vector<1x16xf32>,
        %get3A_522 = vector.shape_cast %get3A_521 : vector<1x16xf32> to vector<16xf32>
        %add3A_523 = arith.constant 64 : i32
        %add3A_524 = arith.addi %scan3A_410, %add3A_523 : i32
        %get3A_525 = arith.index_cast %add3A_524 : i32 to index
        %get3A_526 = arith.constant 64 : index
        %get3A_527 = tpu.vector_load %arg8[%get3A_525, %get3A_526] {strides = array<i32>} : memref<128x128xf32, #tpu.memory_space<vmem>>, vector<1x16xf32>,
        %get3A_528 = vector.shape_cast %get3A_527 : vector<1x16xf32> to vector<16xf32>
        %sub3A_529 = arith.subf %get3A_522, %get3A_528 : vector<16xf32>
        %mul3A_530 = arith.mulf %sub3A_529, %get3A_417 : vector<16xf32>
        %add3A_531 = arith.constant 64 : i32
        %add3A_532 = arith.addi %scan3A_410, %add3A_531 : i32
        %swap3A_533 = arith.index_cast %add3A_532 : i32 to index
        %swap3A_534 = arith.constant 64 : index
        %swap3A_535 = tpu.vector_load %arg8[%swap3A_533, %swap3A_534] {strides = array<i32>} : memref<128x128xf32, #tpu.memory_space<vmem>>, vector<1x16xf32>,
        %swap3A_536 = vector.shape_cast %swap3A_535 : vector<1x16xf32> to vector<16xf32>
        %swap3A_537 = vector.shape_cast %mul3A_530 : vector<16xf32> to vector<1x16xf32>
        tpu.vector_store %arg8[%swap3A_533, %swap3A_534], %swap3A_537 {strides = array<i32>} : memref<128x128xf32, #tpu.memory_space<vmem>>, vector<1x16xf32>,
        %mul3A_538 = arith.mulf %sub3A_529, %neg3A_419 : vector<16xf32>
        %swap3A_539 = arith.index_cast %scan3A_410 : i32 to index
        %swap3A_540 = arith.constant 64 : index
        %swap3A_541 = tpu.vector_load %arg8[%swap3A_539, %swap3A_540] {strides = array<i32>} : memref<128x128xf32, #tpu.memory_space<vmem>>, vector<1x16xf32>,
        %swap3A_542 = vector.shape_cast %swap3A_541 : vector<1x16xf32> to vector<16xf32>
        %swap3A_543 = vector.shape_cast %mul3A_538 : vector<16xf32> to vector<1x16xf32>
        tpu.vector_store %arg8[%swap3A_539, %swap3A_540], %swap3A_543 {strides = array<i32>} : memref<128x128xf32, #tpu.memory_space<vmem>>, vector<1x16xf32>,
        %get3A_544 = arith.index_cast %scan3A_410 : i32 to index
        %get3A_545 = arith.constant 80 : index
        %get3A_546 = tpu.vector_load %arg8[%get3A_544, %get3A_545] {strides = array<i32>} : memref<128x128xf32, #tpu.memory_space<vmem>>, vector<1x16xf32>,
        %get3A_547 = vector.shape_cast %get3A_546 : vector<1x16xf32> to vector<16xf32>
        %add3A_548 = arith.constant 64 : i32
        %add3A_549 = arith.addi %scan3A_410, %add3A_548 : i32
        %get3A_550 = arith.index_cast %add3A_549 : i32 to index
        %get3A_551 = arith.constant 80 : index
        %get3A_552 = tpu.vector_load %arg8[%get3A_550, %get3A_551] {strides = array<i32>} : memref<128x128xf32, #tpu.memory_space<vmem>>, vector<1x16xf32>,
        %get3A_553 = vector.shape_cast %get3A_552 : vector<1x16xf32> to vector<16xf32>
        %sub3A_554 = arith.subf %get3A_547, %get3A_553 : vector<16xf32>
        %mul3A_555 = arith.mulf %sub3A_554, %get3A_417 : vector<16xf32>
        %add3A_556 = arith.constant 64 : i32
        %add3A_557 = arith.addi %scan3A_410, %add3A_556 : i32
        %swap3A_558 = arith.index_cast %add3A_557 : i32 to index
        %swap3A_559 = arith.constant 80 : index
        %swap3A_560 = tpu.vector_load %arg8[%swap3A_558, %swap3A_559] {strides = array<i32>} : memref<128x128xf32, #tpu.memory_space<vmem>>, vector<1x16xf32>,
        %swap3A_561 = vector.shape_cast %swap3A_560 : vector<1x16xf32> to vector<16xf32>
        %swap3A_562 = vector.shape_cast %mul3A_555 : vector<16xf32> to vector<1x16xf32>
        tpu.vector_store %arg8[%swap3A_558, %swap3A_559], %swap3A_562 {strides = array<i32>} : memref<128x128xf32, #tpu.memory_space<vmem>>, vector<1x16xf32>,
        %mul3A_563 = arith.mulf %sub3A_554, %neg3A_419 : vector<16xf32>
        %swap3A_564 = arith.index_cast %scan3A_410 : i32 to index
        %swap3A_565 = arith.constant 80 : index
        %swap3A_566 = tpu.vector_load %arg8[%swap3A_564, %swap3A_565] {strides = array<i32>} : memref<128x128xf32, #tpu.memory_space<vmem>>, vector<1x16xf32>,
        %swap3A_567 = vector.shape_cast %swap3A_566 : vector<1x16xf32> to vector<16xf32>
        %swap3A_568 = vector.shape_cast %mul3A_563 : vector<16xf32> to vector<1x16xf32>
        tpu.vector_store %arg8[%swap3A_564, %swap3A_565], %swap3A_568 {strides = array<i32>} : memref<128x128xf32, #tpu.memory_space<vmem>>, vector<1x16xf32>,
        %get3A_569 = arith.index_cast %scan3A_410 : i32 to index
        %get3A_570 = arith.constant 96 : index
        %get3A_571 = tpu.vector_load %arg8[%get3A_569, %get3A_570] {strides = array<i32>} : memref<128x128xf32, #tpu.memory_space<vmem>>, vector<1x16xf32>,
        %get3A_572 = vector.shape_cast %get3A_571 : vector<1x16xf32> to vector<16xf32>
        %add3A_573 = arith.constant 64 : i32
        %add3A_574 = arith.addi %scan3A_410, %add3A_573 : i32
        %get3A_575 = arith.index_cast %add3A_574 : i32 to index
        %get3A_576 = arith.constant 96 : index
        %get3A_577 = tpu.vector_load %arg8[%get3A_575, %get3A_576] {strides = array<i32>} : memref<128x128xf32, #tpu.memory_space<vmem>>, vector<1x16xf32>,
        %get3A_578 = vector.shape_cast %get3A_577 : vector<1x16xf32> to vector<16xf32>
        %sub3A_579 = arith.subf %get3A_572, %get3A_578 : vector<16xf32>
        %mul3A_580 = arith.mulf %sub3A_579, %get3A_417 : vector<16xf32>
        %add3A_581 = arith.constant 64 : i32
        %add3A_582 = arith.addi %scan3A_410, %add3A_581 : i32
        %swap3A_583 = arith.index_cast %add3A_582 : i32 to index
        %swap3A_584 = arith.constant 96 : index
        %swap3A_585 = tpu.vector_load %arg8[%swap3A_583, %swap3A_584] {strides = array<i32>} : memref<128x128xf32, #tpu.memory_space<vmem>>, vector<1x16xf32>,
        %swap3A_586 = vector.shape_cast %swap3A_585 : vector<1x16xf32> to vector<16xf32>
        %swap3A_587 = vector.shape_cast %mul3A_580 : vector<16xf32> to vector<1x16xf32>
        tpu.vector_store %arg8[%swap3A_583, %swap3A_584], %swap3A_587 {strides = array<i32>} : memref<128x128xf32, #tpu.memory_space<vmem>>, vector<1x16xf32>,
        %mul3A_588 = arith.mulf %sub3A_579, %neg3A_419 : vector<16xf32>
        %swap3A_589 = arith.index_cast %scan3A_410 : i32 to index
        %swap3A_590 = arith.constant 96 : index
        %swap3A_591 = tpu.vector_load %arg8[%swap3A_589, %swap3A_590] {strides = array<i32>} : memref<128x128xf32, #tpu.memory_space<vmem>>, vector<1x16xf32>,
        %swap3A_592 = vector.shape_cast %swap3A_591 : vector<1x16xf32> to vector<16xf32>
        %swap3A_593 = vector.shape_cast %mul3A_588 : vector<16xf32> to vector<1x16xf32>
        tpu.vector_store %arg8[%swap3A_589, %swap3A_590], %swap3A_593 {strides = array<i32>} : memref<128x128xf32, #tpu.memory_space<vmem>>, vector<1x16xf32>,
        %get3A_594 = arith.index_cast %scan3A_410 : i32 to index
        %get3A_595 = arith.constant 112 : index
        %get3A_596 = tpu.vector_load %arg8[%get3A_594, %get3A_595] {strides = array<i32>} : memref<128x128xf32, #tpu.memory_space<vmem>>, vector<1x16xf32>,
        %get3A_597 = vector.shape_cast %get3A_596 : vector<1x16xf32> to vector<16xf32>
        %add3A_598 = arith.constant 64 : i32
        %add3A_599 = arith.addi %scan3A_410, %add3A_598 : i32
        %get3A_600 = arith.index_cast %add3A_599 : i32 to index
        %get3A_601 = arith.constant 112 : index
        %get3A_602 = tpu.vector_load %arg8[%get3A_600, %get3A_601] {strides = array<i32>} : memref<128x128xf32, #tpu.memory_space<vmem>>, vector<1x16xf32>,
        %get3A_603 = vector.shape_cast %get3A_602 : vector<1x16xf32> to vector<16xf32>
        %sub3A_604 = arith.subf %get3A_597, %get3A_603 : vector<16xf32>
        %mul3A_605 = arith.mulf %sub3A_604, %get3A_417 : vector<16xf32>
        %add3A_606 = arith.constant 64 : i32
        %add3A_607 = arith.addi %scan3A_410, %add3A_606 : i32
        %swap3A_608 = arith.index_cast %add3A_607 : i32 to index
        %swap3A_609 = arith.constant 112 : index
        %swap3A_610 = tpu.vector_load %arg8[%swap3A_608, %swap3A_609] {strides = array<i32>} : memref<128x128xf32, #tpu.memory_space<vmem>>, vector<1x16xf32>,
        %swap3A_611 = vector.shape_cast %swap3A_610 : vector<1x16xf32> to vector<16xf32>
        %swap3A_612 = vector.shape_cast %mul3A_605 : vector<16xf32> to vector<1x16xf32>
        tpu.vector_store %arg8[%swap3A_608, %swap3A_609], %swap3A_612 {strides = array<i32>} : memref<128x128xf32, #tpu.memory_space<vmem>>, vector<1x16xf32>,
        %mul3A_613 = arith.mulf %sub3A_604, %neg3A_419 : vector<16xf32>
        %swap3A_614 = arith.index_cast %scan3A_410 : i32 to index
        %swap3A_615 = arith.constant 112 : index
        %swap3A_616 = tpu.vector_load %arg8[%swap3A_614, %swap3A_615] {strides = array<i32>} : memref<128x128xf32, #tpu.memory_space<vmem>>, vector<1x16xf32>,
        %swap3A_617 = vector.shape_cast %swap3A_616 : vector<1x16xf32> to vector<16xf32>
        %swap3A_618 = vector.shape_cast %mul3A_613 : vector<16xf32> to vector<1x16xf32>
        tpu.vector_store %arg8[%swap3A_614, %swap3A_615], %swap3A_618 {strides = array<i32>} : memref<128x128xf32, #tpu.memory_space<vmem>>, vector<1x16xf32>,
      }
      %scan3A_406 = arith.constant 64 : i32
      %dma_start3A_407 = arith.constant 0 : i32
      %dma_start3A_408 = arith.constant 0 : i32
      %dma_start3A_409 = tpu.memref_slice %arg6[%dma_start3A_407, %dma_start3A_408] : memref<10112x128xf32, #tpu.memory_space<vmem_shared>> -> memref<10112x128xf32, #tpu.memory_space<vmem_shared>>
      tpu.enqueue_indirect_dma source(%arg8 : memref<128x128xf32, #tpu.memory_space<vmem>>) target(%dma_start3A_409 : memref<10112x128xf32, #tpu.memory_space<vmem_shared>>) offsets(%arg10 : memref<128xi32, #tpu.memory_space<vmem>>) semaphore(%arg18 : memref<!tpu.dma_semaphore, #tpu.memory_space<semaphore_mem>>) {add = true}
    }
    %scan3A_121 = arith.constant 157 : i32
    %dma_wait3A = arith.constant 0 : i32
    %dma_wait3A_122 = arith.constant 0 : i32
    %dma_wait3A_123 = tpu.memref_slice %arg2[%dma_wait3A, %dma_wait3A_122] : memref<20000x128xf32, #tpu.memory_space<hbm>> -> memref<20000x128xf32, #tpu.memory_space<hbm>>
    tpu.wait_indirect_dma semaphore(%arg15 : memref<!tpu.dma_semaphore, #tpu.memory_space<semaphore_mem>>) src(%dma_wait3A_123 : memref<20000x128xf32, #tpu.memory_space<hbm>>) dst(%arg7 : memref<128x128xf32, #tpu.memory_space<vmem>>)
    %dma_wait3A_124 = arith.constant 0 : i32
    %dma_wait3A_125 = arith.constant 0 : i32
    %dma_wait3A_126 = tpu.memref_slice %arg6[%dma_wait3A_124, %dma_wait3A_125] : memref<10112x128xf32, #tpu.memory_space<vmem_shared>> -> memref<10112x128xf32, #tpu.memory_space<vmem_shared>>
    tpu.wait_indirect_dma semaphore(%arg18 : memref<!tpu.dma_semaphore, #tpu.memory_space<semaphore_mem>>) src(%arg8 : memref<128x128xf32, #tpu.memory_space<vmem>>) dst(%dma_wait3A_126 : memref<10112x128xf32, #tpu.memory_space<vmem_shared>>)
    %barrier3A_127 = arith.constant 0 : index
    tpu.barrier barrier_id(%barrier3A_127)
    %mul3A_128 = arith.constant 10112 : i32
    %mul3A_129 = arith.muli %arg0, %mul3A_128 : i32
    %add3A_130 = arith.addi %mul3A_129, %mul3A_4 : i32
    "tpu.region"() ({
      %run_scoped3A = tpu.sem_alloc : memref<!tpu.dma_semaphore, #tpu.memory_space<semaphore_mem>>
      %dma_start3A_131 = arith.constant 0 : i32
      %dma_start3A_132 = tpu.memref_slice %arg5[%add3A_130, %dma_start3A_131] : memref<20224x128xf32, #tpu.memory_space<hbm>> -> memref<632x128xf32, #tpu.memory_space<hbm>>
      %dma_start3A_133 = arith.constant 0 : i32
      %dma_start3A_134 = tpu.memref_slice %arg6[%mul3A_4, %dma_start3A_133] : memref<10112x128xf32, #tpu.memory_space<vmem_shared>> -> memref<632x128xf32, #tpu.memory_space<vmem_shared>>
      tpu.enqueue_dma source(%dma_start3A_134 : memref<632x128xf32, #tpu.memory_space<vmem_shared>>) target(%dma_start3A_132 : memref<632x128xf32, #tpu.memory_space<hbm>>) target_semaphore(%run_scoped3A : memref<!tpu.dma_semaphore, #tpu.memory_space<semaphore_mem>>)
      %dma_wait3A_135 = arith.constant 0 : i32
      %dma_wait3A_136 = tpu.memref_slice %arg5[%add3A_130, %dma_wait3A_135] : memref<20224x128xf32, #tpu.memory_space<hbm>> -> memref<632x128xf32, #tpu.memory_space<hbm>>
      %dma_wait3A_137 = arith.constant 0 : i32
      %dma_wait3A_138 = tpu.memref_slice %arg6[%mul3A_4, %dma_wait3A_137] : memref<10112x128xf32, #tpu.memory_space<vmem_shared>> -> memref<632x128xf32, #tpu.memory_space<vmem_shared>>
      tpu.wait_dma2 semaphore(%run_scoped3A : memref<!tpu.dma_semaphore, #tpu.memory_space<semaphore_mem>>) src(%dma_wait3A_138 : memref<632x128xf32, #tpu.memory_space<vmem_shared>>) dst(%dma_wait3A_136 : memref<632x128xf32, #tpu.memory_space<hbm>>)
      tpu.yield
    }) : () -> ()
    return
  }
}

</mosaic_0001>

<sc_bundles>
// kernel: kernel.3.cloned.1.call-start
scs
__scs_entry_jumppad:
0x0: {  	(pc) =	sbr.rel $0x88, $3  }
0x1: {  	(tag) =	ssettag $0x0;
	lr =	simm.s32 $0x1  }
0x2: {  	[smem:$0x3F9D] =	sst lr;
	_ =	strace $0xD0000000  }
0x3: {  	_ = 	snop  }
0x4: {  	_ = 	snop  }
0x5: {  	_ = 	snop  }
0x6: {  	_ = 	snop  }
0x7: {  	_ = 	snop  }
__scs_overlays_trampoline_lowered:
0x8: {  	[smem:$0x3FAC] =	sst s0  }
0x9: {  	[smem:$0x3FAD] =	sst s1  }
0xa: {  	[smem:$0x3FAE] =	sst s2  }
0xb: {  	[smem:$0x3FAF] =	sst s3  }
0xc: {  	[smem:$0x3FB0] =	sst s4  }
0xd: {  	[smem:$0x3FB1] =	sst s5  }
0xe: {  	[smem:$0x3FB2] =	sst s6  }
0xf: {  	[smem:$0x3FB3] =	sst s7  }
0x10: {  	[smem:$0x3FB4] =	sst s8  }
0x11: {  	[smem:$0x3FB5] =	sst s9;
	s0 =	simm.s32 @!p0 $0x0  }
0x12: {  	s1 =	sld [smem:$0x3F9B];
	s0 =	simm.s32 @p0 $0x1  }
0x13: {  	[smem:$0x3FB6] =	sst s0;
	s0 =	simm.s32 @!p1 $0x0  }
0x14: {  	s2 =	sld [smem:$0x3F9A];
	s0 =	simm.s32 @p1 $0x1  }
0x15: {  	[smem:$0x3FB7] =	sst s0;
	s0 =	simm.s32 @!p2 $0x0  }
0x16: {  	s3 =	sld [smem:$0x3FDB];
	s0 =	simm.s32 @p2 $0x1  }
0x17: {  	s4 =	simm.s32 $0x1BF5;
	[smem:$0x3FB9] =	sst s0  }
0x18: {  	s0 =	sld [smem:$0x3F9C];
	_ =	swait.ge [sflag:s4], $0x0  }
0x19: {  	s7 =	sld [smem:$0x3F9D]  }
0x1a: {  	s8 =	sadd.s32 $0xFFFFE003, lr  }
0x1b: {  	s9 =	sadd.s32 $0xFFFFFEF7, lr;
	s5 =	simm.s32 $0xFFFFFFFF;
	p2 =	slt.u32 s8, $0xFFFFF086  }
0x1c: {  	p1 =	slt.u32 s9, $0xF7A;
	s5 =	simm.s32 @!p2 $0x0  }
0x1d: {  	s5 =	simm.s32 @p1 $0x1;
	p0 =	seq.s32 s7, s2  }
0x1e: {  	s7 =	smul.u32 @!p0 $0xF7A, s2;
	p2 =	seq.s32 @!p0 s5, $0x0  }
0x1f: {  	s9 =	smul.u32 $0xF7A, s1;
	s8 =	simm.s32 @!p0 $0x1BF5;
	p2 =	por !p2, p0  }
0x20: {  	[sflag:s8] =	ssyncset.s32 @!p0 $0xFFFFF086;
	s6 =	sadd.s32 @!p0 s3, s7;
	s7 =	simm.s32 @!p0 $0x108  }
0x21: {  	s3 =	sadd.s32 s3, s9;
	s6 =	sadd.s32 @!p0 $0x88, s6;
	s7 =	simm.s32 @p2 $0x1082  }
0x22: {  	[simem:s7], [sflag:s8] =	dma.local @!p0 [hbm:s6], $0xF7A  }
0x23: {  	s9 =	sor.u32 $0xD0000000, s2;
	s6 =	simm.s32 $0x108;
	_ =	swait.ge @!p0 [sflag:s8], $0x0  }
0x24: {  	s3 =	sadd.s32 $0x88, s3;
	s6 =	simm.s32 @!p1 $0x1082;
	[sflag:s4] =	ssyncset.s32 $0xFFFFF086  }
0x25: {  	[simem:s6], [sflag:s4] =	dma.local [hbm:s3], $0xF7A  }
0x26: {  	[smem:$0x3F9D] =	sst s1;
	(tag) =	ssettag s2;
	_ =	strace s9  }
0x27: {  	s1 =	sld [smem:$0x3FAD]  }
0x28: {  	s2 =	sld [smem:$0x3FAE]  }
0x29: {  	s4 =	sld [smem:$0x3FB0]  }
0x2a: {  	p0 =	seq.s32 s5, $0x0;
	s5 =	sld [smem:$0x3FB1]  }
0x2b: {  	s6 =	sld [smem:$0x3FB2]  }
0x2c: {  	s7 =	sld [smem:$0x3FB3]  }
0x2d: {  	s3 =	simm.s32 $0x108;
	s8 =	sld [smem:$0x3FB4]  }
0x2e: {  	s3 =	simm.s32 @!p0 $0x1082;
	s9 =	sld [smem:$0x3FB5]  }
0x2f: {  	lr =	sadd.s32 s0, s3;
	s0 =	sld [smem:$0x3FAC]  }
0x30: {  	s3 =	sld [smem:$0x3FAF]  }
0x31: {  	[smem:$0x3FB8] =	sst s10  }
0x32: {  	s10 =	sld [smem:$0x3FB6];
	_ =	sdelay $0x3  }
0x33: {  	p0 =	seq.s32 s10, $0x1;
	s10 =	sld [smem:$0x3FB8];
	_ =	sdelay $0x3  }
0x34: {  	[smem:$0x3FB8] =	sst s10  }
0x35: {  	s10 =	sld [smem:$0x3FB7];
	_ =	sdelay $0x3  }
0x36: {  	p1 =	seq.s32 s10, $0x1;
	s10 =	sld [smem:$0x3FB8];
	_ =	sdelay $0x3  }
0x37: {  	[smem:$0x3FB8] =	sst s10  }
0x38: {  	s10 =	sld [smem:$0x3FB9]  }
0x39: {  	_ = 	snop;
	(pc) =	sbr.ind lr, $3  }
0x3a: {  	_ = 	snop  }
0x3b: {  	_ = 	snop  }
0x3c: {  	p2 =	seq.s32 s10, $0x1;
	s10 =	sld [smem:$0x3FB8]  }
0x3d: {  	_ =	shalt  }
0x3e: {  	_ =	shalt  }
0x3f: {  	_ =	shalt  }
0x40: {  	_ =	shalt  }
0x41: {  	_ =	shalt  }
0x42: {  	_ =	shalt  }
0x43: {  	_ =	shalt  }
0x44: {  	_ =	shalt  }
0x45: {  	_ =	shalt  }
0x46: {  	_ =	shalt  }
0x47: {  	_ =	shalt  }
0x48: {  	_ =	shalt  }
0x49: {  	_ =	shalt  }
0x4a: {  	_ =	shalt  }
0x4b: {  	_ =	shalt  }
0x4c: {  	_ =	shalt  }
0x4d: {  	_ =	shalt  }
0x4e: {  	_ =	shalt  }
0x4f: {  	_ =	shalt  }
0x50: {  	_ =	shalt  }
0x51: {  	_ =	shalt  }
0x52: {  	_ =	shalt  }
0x53: {  	_ =	shalt  }
0x54: {  	_ =	shalt  }
0x55: {  	_ =	shalt  }
0x56: {  	_ =	shalt  }
0x57: {  	_ =	shalt  }
0x58: {  	_ =	shalt  }
0x59: {  	_ =	shalt  }
0x5a: {  	_ =	shalt  }
0x5b: {  	_ =	shalt  }
0x5c: {  	_ =	shalt  }
0x5d: {  	_ =	shalt  }
0x5e: {  	_ =	shalt  }
0x5f: {  	_ =	shalt  }
0x60: {  	_ =	shalt  }
0x61: {  	_ =	shalt  }
0x62: {  	_ =	shalt  }
0x63: {  	_ =	shalt  }
0x64: {  	_ =	shalt  }
0x65: {  	_ =	shalt  }
0x66: {  	_ =	shalt  }
0x67: {  	_ =	shalt  }
0x68: {  	_ =	shalt  }
0x69: {  	_ =	shalt  }
0x6a: {  	_ =	shalt  }
0x6b: {  	_ =	shalt  }
0x6c: {  	_ =	shalt  }
0x6d: {  	_ =	shalt  }
0x6e: {  	_ =	shalt  }
0x6f: {  	_ =	shalt  }
0x70: {  	_ =	shalt  }
0x71: {  	_ =	shalt  }
0x72: {  	_ =	shalt  }
0x73: {  	_ =	shalt  }
0x74: {  	_ =	shalt  }
0x75: {  	_ =	shalt  }
0x76: {  	_ =	shalt  }
0x77: {  	_ =	shalt  }
0x78: {  	_ =	shalt  }
0x79: {  	_ =	shalt  }
0x7a: {  	_ =	shalt  }
0x7b: {  	_ =	shalt  }
0x7c: {  	_ =	shalt  }
0x7d: {  	_ =	shalt  }
0x7e: {  	_ =	shalt  }
0x7f: {  	_ =	shalt  }
0x80: {  	_ =	shalt  }
0x81: {  	_ =	shalt  }
0x82: {  	_ =	shalt  }
0x83: {  	_ =	shalt  }
0x84: {  	_ =	shalt  }
0x85: {  	_ =	shalt  }
0x86: {  	_ =	shalt  }
0x87: {  	_ =	shalt  }
.Lfunc_end0:
.L_simem_size_0:
called_computation_lowered:
.L_overlay_start_0:
0x88: {  	s2 =	sld [smem:$0x3FD9]  }
0x89: {  	s3 =	sld [smem:$0x3FFE];
	_ =	sdelay $0x1  }
0x8a: {  	s1 =	srdreg.scid  }
0x8b: {  	s0 =	sand.u32 $0x1, s1  }
0x8c: {  	s17 =	sshll.u32 s0, $0xA;
	s2 =	sadd.s32 s3, s2  }
0x8d: {  	s2 =	sadd.s32 s2, s17  }
0x8e: {  	[smem:$0x3FC4] =	sst s2  }
0x8f: {  	_ = 	snop  }
0x90: {  	s2 =	sld [smem:$0x3FD0];
	(tm) =	ssettm $0x1  }
0x91: {  	s18 =	sld [smem:$0x3FFB];
	_ =	sdelay $0x3  }
0x92: {  	_ =	strace s18  }
0x93: {  	s3 =	sld [smem:$0x3FFC];
	_ =	sdelay $0x3  }
0x94: {  	_ =	strace s3  }
0x95: {  	s3 =	sld [smem:$0x3FFD];
	_ =	sdelay $0x3  }
0x96: {  	_ =	strace s3  }
0x97: {  	_ =	strace $0x8FFFFFFF  }
0x98: {  	s19 =	sld [smem:$0x3FDB];
	_ =	sdelay $0x1  }
0x99: {  	s4 =	simm.s32 $_scs_section_size  }
0x9a: {  	s5 =	simm.s32 $_size__tile_overlayer_lowered;
	s6 =	simm.s32 $_tile_overlayer_lowered  }
0x9b: {  	s22 =	simm.s32 $0x1BFF;
	s21 =	sshll.u32 s6, $0x1;
	s3 =	sadd.s32 s4, s19  }
0x9c: {  	s7 =	simm.s32 $0x0;
	s20 =	sshll.u32 s5, $0x1;
	s5 =	sadd.s32 s21, s3  }
0x9d: {  	[timem:s7], [sflag:s22] =	dma.local [hbm:s5], s20  }
0x9e: {  	_ =	swait.ge [sflag:s22], s20  }
0x9f: {  	s4 =	ssub.s32 $0x0, s20;
	[sflag:s22] =	ssyncset.done $0x0  }
0xa0: {  	[sflag:s22] =	ssyncadd.s32 s4;
	_ =	sdelay $0x1  }
0xa1: {  	s23 =	simm.s32 $0x1B8B  }
0xa2: {  	_ =	swait.ge [sflag:s23], $0x1  }
0xa3: {  	[sflag:s23] =	ssyncset.done $0x0  }
0xa4: {  	s25 =	simm.s32 $0x1B8E;
	s24 =	sld [smem:$0x3FFE];
	[sflag:s23] =	ssyncadd.s32 $0xFFFFFFFF  }
0xa5: {  	s26 =	simm.s32 $execute0_lowered;
	[smem:$0x3FD2] =	sst s25  }
0xa6: {  	s5 =	sshll.u32 s26, $0x1;
	_ =	strace $0x80000046;
	[dreg:$0x1] =	wrdreg $0xFFFFFFFF  }
0xa7: {  	s28 =	simm.s32 $_size_execute0_lowered;
	s3 =	sadd.s32 s3, s5;
	[dreg:$0x0] =	wrdreg $0x0  }
0xa8: {  	s5 =	sshll.u32 s28, $0x1;
	[dreg:$0x2] =	wrdreg s3  }
0xa9: {  	[dreg:$0x3] =	wrdreg s5  }
0xaa: {  	[dreg:$0x4] =	wrdreg $0xC0  }
0xab: {  	_ =	task [dreg:s7], $0x5FFFF  }
0xac: {  	[dreg:$0x1] =	wrdreg $0xFFFFFFFF  }
0xad: {  	[dreg:$0x0] =	wrdreg $0x60  }
0xae: {  	[dreg:$0x2] =	wrdreg s24  }
0xaf: {  	[dreg:$0x3] =	wrdreg s2  }
0xb0: {  	[dreg:$0x4] =	wrdreg $0x0  }
0xb1: {  	[dreg:$0x5] =	wrdreg $0x9  }
0xb2: {  	_ =	task.clear_ibuf [dreg:s7], $0x6FFFF;
	_ =	strace $0x90000046  }
0xb3: {  	s29 =	simm.s32 $0x9;
	_ =	strace $0x80000048  }
0xb4: {  	_ =	swait.ge [sflag:s29], $0x1  }
0xb5: {  	[sflag:s29] =	ssyncadd.s32 $0xFFFFFFFF  }
0xb6: {  	_ =	strace $0x90000048  }
0xb7: {  	_ =	sfence  }
0xb8: {  	s30 =	sld [smem:$0x0];
	_ =	sdelay $0x2  }
0xb9: {  	s31 =	sshll.u32 s1, $0xD;
	s1 =	sshrl.u32 s1, $0x2  }
0xba: {  	s3 =	sand.u32 $0x4000, s31;
	s1 =	sadd.s32 s1, s30  }
0xbb: {  	s0 =	sor.u32 s3, s0;
	s1 =	sshll.u32 s1, $0x11  }
0xbc: {  	s0 =	sor.u32 s1, s0  }
0xbd: {  	s0 =	sadd.s32 $0x8F2B, s0  }
0xbe: {  	[sflag:s0] =	ssyncadd.remote.s32 $0x1  }
0xbf: {  	_ =	sfence.sel $0xFFFF  }
0xc0: {  	[dreg:$0x0] =	wrdreg $0xFFFFFFFF;
	(pc) =	sbr.abs _section_cstart, $3  }
0xc1: {  	[dreg:$0x1] =	wrdreg $0xFFFFFFFF  }
0xc2: {  	_ =	task.clear_ibuf [dreg:s7], $0x2FFFF;
	_ =	strace $0x9FFFFFFF  }
0xc3: {  	(tm) =	ssettm $0x7FFFFFFF  }
tec
execute0_lowered:
.L_overlay_start_1:
0x0: {  	(tag) =	ssettag $0x1  }
0x1: {  	s0 =	rddreg [dreg:$0x0]  }
0x2: {  	s1 =	rddreg [dreg:$0x1]  }
0x3: {  	s2 =	rddreg [dreg:$0x2];
	s4 =	simm.s32 $0x0  }
0x4: {  	s3 =	stileid.u32;
	s6 =	srdreg.scid;
	s14 =	simm.s32 $0x1BD00  }
0x5: {  	s15 =	simm.s32 $0x13C00;
	s18 =	simm.s32 $0x1C300;
	s19 =	simm.s32 $0x1BD80  }
0x6: {  	s20 =	simm.s32 $0x17C00;
	s21 =	simm.s32 $0x1;
	s22 =	simm.s32 $0x1BC00  }
0x7: {  	s23 =	simm.s32 $0x3;
	s24 =	simm.s32 $0x2;
	s8 =	smul.u32 $0x2780, s3  }
0x8: {  	s26 =	simm.s32 $0x4;
	[smem:$0x7FF] =	sst s4;
	s4 =	smul.u32 $0x13A, s3  }
0x9: {  	s28 =	simm.s32 $0x0;
	s5 =	sadd.s32 $0x189600, s0;
	s9 =	smul.u32 $0xC440, s3  }
0xa: {  	s7 =	sand.u32 $0x1, s6;
	s6 =	sadd.s32 $0xC5000, s0;
	s11 =	smul.u32 $0x4F000, s3  }
0xb: {  	s31 =	sshll.u32 s3, $0x6;
	_ =	strace $0x80000047;
	s13 =	smul.u32 $0x27800, s7  }
0xc: {  	s10 =	ssub.s32 $0x2, s7;
	s25 =	smul.u32 $0x2710, s7;
	s16 =	sor.u32 $0x1C05, s31  }
0xd: {  	s0 =	sadd.s32 s8, s0;
	s12 =	sshrl.u32 s10, $0x1;
	s11 =	sshrl.u32 s11, $0x2  }
0xe: {  	s7 =	sadd.s32 s6, s9;
	s10 =	ssub.s32 s10, s12;
	s17 =	sadd.s32 s11, s2  }
0xf: {  	s30 =	sadd.s32 s8, s13;
	s8 =	sadd.s32 $0x9CA00, s0;
	s11 =	simm.s32 $0x1BE00  }
0x10: {  	s12 =	simm.s32 $0x5;
	s13 =	simm.s32 $0x80;
	v0 =	vmov s25;
	s25 =	simm.s32 $0x1BC80  }
0x11: {  	s9 =	sadd.s32 s1, s30;
	s10 =	smax.u32 s10, $0x1;
	s17 =	sshrl.u32 s17, $0x3  }
.LBB2_1:
0x12: {  	s0 =	simm.s32 $0x0  }
0x13: {  	[tilespmem:s11], [sflag:$0x5] =	stream.linear.gather [hbm4b:s7+s0], $0x500, $0x38;
	[tilespmem:$0x1C800] =	vst v63  }
0x14: {  	_ =	swait.ge [sflag:s12], $0x500  }
0x15: {  	[sflag:s12] =	ssyncset.done $0x0  }
0x16: {  	[sflag:s12] =	ssyncadd.s32 $0xFFFFFB00  }
0x17: {  	v1 =	vld [tilespmem:$0x1BE00];
	_ =	sdelay $0x1  }
0x18: {  	v2 =	vld [tilespmem:$0x1BE10];
	_ =	sdelay $0x1  }
0x19: {  	v3 =	vld [tilespmem:$0x1BE20]  }
0x1a: {  	v1 =	vtrunc.f32 v1  }
0x1b: {  	v4 =	vld [tilespmem:$0x1BE30];
	v1 =	vcvt.f32.s32 v1  }
0x1c: {  	v2 =	vtrunc.f32 v2  }
0x1d: {  	v5 =	vld [tilespmem:$0x1BE40];
	v2 =	vcvt.f32.s32 v2;
	[tilespmem:$0x1BC00] =	vst v1;
	v1 =	vadd.s32 v1, v0  }
0x1e: {  	[tilespmem:$0x1BD00] =	vst v1;
	v1 =	vtrunc.f32 v3  }
0x1f: {  	[tilespmem:$0x1BC10] =	vst v2;
	v2 =	vadd.s32 v2, v0;
	v3 =	vld [tilespmem:$0x1BE50];
	v1 =	vcvt.f32.s32 v1  }
0x20: {  	[tilespmem:$0x1BD10] =	vst v2;
	v2 =	vtrunc.f32 v4  }
0x21: {  	v62 =	vld [tilespmem:$0x1BE60];
	v2 =	vcvt.f32.s32 v2;
	[tilespmem:$0x1BC20] =	vst v1;
	v1 =	vadd.s32 v1, v0  }
0x22: {  	[tilespmem:$0x1BD20] =	vst v1;
	v1 =	vtrunc.f32 v5  }
0x23: {  	v63 =	vld [tilespmem:$0x1BE70];
	[tilespmem:$0x1BC30] =	vst v2;
	v2 =	vadd.s32 v2, v0;
	v1 =	vcvt.f32.s32 v1  }
0x24: {  	[tilespmem:$0x1BD30] =	vst v2;
	v2 =	vtrunc.f32 v3  }
0x25: {  	v2 =	vcvt.f32.s32 v2;
	[tilespmem:$0x1BC40] =	vst v1;
	v1 =	vadd.s32 v1, v0  }
0x26: {  	[tilespmem:$0x1BD40] =	vst v1;
	v1 =	vtrunc.f32 v62  }
0x27: {  	[tilespmem:$0x1BC50] =	vst v2;
	v2 =	vadd.s32 v2, v0;
	v1 =	vcvt.f32.s32 v1  }
0x28: {  	[tilespmem:$0x1BD50] =	vst v2;
	v2 =	vtrunc.f32 v63  }
0x29: {  	v2 =	vcvt.f32.s32 v2;
	[tilespmem:$0x1BC60] =	vst v1;
	v1 =	vadd.s32 v1, v0  }
0x2a: {  	[tilespmem:$0x1BD60] =	vst v1  }
0x2b: {  	[tilespmem:$0x1BC70] =	vst v2;
	v1 =	vadd.s32 v2, v0  }
0x2c: {  	[tilespmem:$0x1BD70] =	vst v1  }
0x2d: {  	[tilespmem:s15], [sflag:$0x1] =	stream.indirect.gather [hbm4b:s5+s13], $0x80, s14, s13, $0xb8;
	[tilespmem:$0x1C800] =	vst v63  }
0x2e: {  	[spmem:s17], [sflag:s16] =	dma.local [hbm:s8], $0x2780  }
0x2f: {  	_ =	swait.ge [sflag:s12], $0x2780  }
0x30: {  	[sflag:s12] =	ssyncset.done $0x0  }
0x31: {  	[sflag:s12] =	ssyncadd.s32 $0xFFFFD880  }
0x32: {  	s29 =	simm.s32 $0x0;
	[bflag:$0x0] =	sbarrier.arrive $0xFFFF  }
.LBB2_2:
0x33: {  	s0 =	sshll.u32 s29, $0x1  }
0x34: {  	s0 =	sadd.s32 s4, s0  }
0x35: {  	p0 =	seq.s32 s29, $0x0;
	s0 =	smul.u32 $0x500, s0  }
0x36: {  	s1 =	simm.s32 @!p0 $0x4  }
0x37: {  	_ =	swait.ge @!p0 [sflag:s1], $0x4000;
	s0 =	sshrl.u32 s0, $0x3  }
0x38: {  	[sflag:s1] =	ssyncset.done @!p0 $0x0;
	s30 =	sadd.s32 s6, s0  }
0x39: {  	s3 =	simm.s32 $0x0;
	[sflag:s1] =	ssyncadd.s32 @!p0 $0xFFFFC000;
	s0 =	sadd.s32 $0xA0, s30  }
0x3a: {  	[tilespmem:s18], [sflag:$0x5] =	stream.linear.gather [hbm4b:s0+s3], $0x500, $0x38;
	[tilespmem:$0x1C800] =	vst v63  }
0x3b: {  	_ =	swait.ge [sflag:s12], $0x500  }
0x3c: {  	[sflag:s12] =	ssyncset.done $0x0  }
0x3d: {  	[sflag:s12] =	ssyncadd.s32 $0xFFFFFB00  }
0x3e: {  	v1 =	vld [tilespmem:$0x1C300];
	_ =	sdelay $0x1  }
0x3f: {  	v2 =	vld [tilespmem:$0x1C310];
	_ =	sdelay $0x1  }
0x40: {  	v3 =	vld [tilespmem:$0x1C320]  }
0x41: {  	v1 =	vtrunc.f32 v1  }
0x42: {  	v4 =	vld [tilespmem:$0x1C330];
	v1 =	vcvt.f32.s32 v1  }
0x43: {  	v2 =	vtrunc.f32 v2  }
0x44: {  	v5 =	vld [tilespmem:$0x1C340];
	v2 =	vcvt.f32.s32 v2;
	[tilespmem:$0x1BC80] =	vst v1;
	v1 =	vadd.s32 v1, v0  }
0x45: {  	[tilespmem:$0x1BD80] =	vst v1;
	v1 =	vtrunc.f32 v3  }
0x46: {  	[tilespmem:$0x1BC90] =	vst v2;
	v2 =	vadd.s32 v2, v0;
	v3 =	vld [tilespmem:$0x1C350];
	v1 =	vcvt.f32.s32 v1  }
0x47: {  	[tilespmem:$0x1BD90] =	vst v2;
	v2 =	vtrunc.f32 v4  }
0x48: {  	v4 =	vld [tilespmem:$0x1C360];
	v2 =	vcvt.f32.s32 v2;
	[tilespmem:$0x1BCA0] =	vst v1;
	v1 =	vadd.s32 v1, v0  }
0x49: {  	[tilespmem:$0x1BDA0] =	vst v1;
	v1 =	vtrunc.f32 v5  }
0x4a: {  	[tilespmem:$0x1BCB0] =	vst v2;
	v2 =	vadd.s32 v2, v0;
	v5 =	vld [tilespmem:$0x1C370];
	v1 =	vcvt.f32.s32 v1  }
0x4b: {  	[tilespmem:$0x1BDB0] =	vst v2;
	v2 =	vtrunc.f32 v3  }
0x4c: {  	v2 =	vcvt.f32.s32 v2;
	[tilespmem:$0x1BCC0] =	vst v1;
	v1 =	vadd.s32 v1, v0  }
0x4d: {  	[tilespmem:$0x1BDC0] =	vst v1;
	v1 =	vtrunc.f32 v4  }
0x4e: {  	[tilespmem:$0x1BCD0] =	vst v2;
	v2 =	vadd.s32 v2, v0;
	v1 =	vcvt.f32.s32 v1  }
0x4f: {  	[tilespmem:$0x1BDD0] =	vst v2;
	v2 =	vtrunc.f32 v5  }
0x50: {  	v2 =	vcvt.f32.s32 v2;
	[tilespmem:$0x1BCE0] =	vst v1;
	v1 =	vadd.s32 v1, v0  }
0x51: {  	[tilespmem:$0x1BDE0] =	vst v1  }
0x52: {  	[tilespmem:$0x1BCF0] =	vst v2;
	v1 =	vadd.s32 v2, v0  }
0x53: {  	[tilespmem:$0x1BDF0] =	vst v1  }
0x54: {  	[tilespmem:s20], [sflag:$0x2] =	stream.indirect.gather [hbm4b:s5+s13], $0x80, s19, s13, $0xb8;
	[tilespmem:$0x1C800] =	vst v63  }
0x55: {  	_ =	swait.ge [sflag:s21], $0x4000  }
0x56: {  	[sflag:s21] =	ssyncset.done $0x0  }
0x57: {  	s31 =	simm.s32 $0x15C00;
	[sflag:s21] =	ssyncadd.s32 $0xFFFFC000  }
0x58: {  	v2 =	vld [tilespmem:s31+$0x60]  }
0x59: {  	v3 =	vld [tilespmem:s31+$0x0]  }
0x5a: {  	v6 =	vld [tilespmem:s31+$0x20]  }
0x5b: {  	v7 =	vld [tilespmem:s31+$0xFFFFE070]  }
0x5c: {  	v4 =	vld [tilespmem:s31+$0x30]  }
0x5d: {  	v5 =	vld [tilespmem:s31+$0x50]  }
0x5e: {  	v8 =	vld [tilespmem:s31+$0xFFFFE050]  }
0x5f: {  	v9 =	vld [tilespmem:s31+$0x70]  }
0x60: {  	v12 =	vld [tilespmem:s31+$0x40]  }
0x61: {  	v10 =	vld [tilespmem:s31+$0xFFFFE000]  }
0x62: {  	v11 =	vld [tilespmem:s31+$0xFFFFE020]  }
0x63: {  	v13 =	vld [tilespmem:s31+$0xFFFFE030]  }
0x64: {  	s0 =	sand.u32 $0x3F0, s3;
	v14 =	vld [tilespmem:s31+$0xFFFFE060]  }
0x65: {  	v1 =	vld [tilespmem:s0+$0x1BE80]  }
0x66: {  	v15 =	vld [tilespmem:s31+$0x10]  }
0x67: {  	v16 =	vld [tilespmem:s31+$0xFFFFE010];
	v5 =	vsub.f32 v8, v5  }
0x68: {  	v8 =	vsub.f32 v10, v3;
	v4 =	vsub.f32 v13, v4;
	v13 =	vld [tilespmem:s31+$0xFFFFE040]  }
0x69: {  	v17 =	vsub.f32 v11, v6;
	v3 =	vsub.f32 v14, v2  }
0x6a: {  	v2 =	vsub.f32 $0.0e+00, v1;
	v14 =	vmul.f32 v8, v1;
	v11 =	vmul.f32 v4, v1  }
0x6b: {  	v6 =	vsub.f32 v7, v9;
	v10 =	vmul.f32 v17, v1;
	v18 =	vmul.f32 v5, v1  }
0x6c: {  	v9 =	vmul.f32 v8, v2;
	v8 =	vsub.f32 v16, v15;
	v7 =	vmul.f32 v17, v2;
	[tilespmem:s31+$0x0] =	vst v14  }
0x6d: {  	s1 =	simm.s32 $0x15C00;
	s0 =	simm.s32 $0x10;
	v14 =	vmul.f32 v3, v1;
	[tilespmem:s31+$0x50] =	vst v18;
	v12 =	vsub.f32 v13, v12;
	v13 =	vmul.f32 v6, v2  }
.LBB2_3:
0x6e: {  	p0 =	sne.s32 s0, $0x3F0  }
0x6f: {  	v15 =	vmul.f32 v8, v2;
	v5 =	vmul.f32 v5, v2;
	[tilespmem:s31+$0x60] =	vst v14;
	s1 =	sadd.s32 $0x80, s1;
	s3 =	smov.u32 s0;
	s0 =	sadd.s32 $0x10, s0  }
0x70: {  	v4 =	vmul.f32 v4, v2;
	v14 =	vld [tilespmem:s1+$0x60];
	[tilespmem:s31+$0x30] =	vst v11;
	v11 =	vmul.f32 v12, v2  }
0x71: {  	v8 =	vmul.f32 v8, v1;
	v16 =	vld [tilespmem:s1+$0x0];
	[tilespmem:s31+$0x20] =	vst v10;
	v10 =	vmul.f32 v12, v1  }
0x72: {  	v2 =	vmul.f32 v3, v2;
	v1 =	vmul.f32 v6, v1;
	v12 =	vld [tilespmem:s1+$0x20];
	[tilespmem:s31+$0xFFFFE070] =	vst v13  }
0x73: {  	v6 =	vld [tilespmem:s1+$0xFFFFE070];
	[tilespmem:s31+$0xFFFFE000] =	vst v9  }
0x74: {  	v3 =	vld [tilespmem:s1+$0x30];
	[tilespmem:s31+$0xFFFFE050] =	vst v5  }
0x75: {  	v5 =	vld [tilespmem:s1+$0x50];
	[tilespmem:s31+$0xFFFFE020] =	vst v7  }
0x76: {  	v7 =	vld [tilespmem:s1+$0xFFFFE050];
	[tilespmem:s31+$0x70] =	vst v1  }
0x77: {  	v9 =	vld [tilespmem:s1+$0x70];
	[tilespmem:s31+$0x40] =	vst v10  }
0x78: {  	v13 =	vld [tilespmem:s1+$0x40];
	[tilespmem:s31+$0xFFFFE030] =	vst v4  }
0x79: {  	v4 =	vld [tilespmem:s1+$0xFFFFE000];
	[tilespmem:s31+$0xFFFFE040] =	vst v11  }
0x7a: {  	v10 =	vld [tilespmem:s1+$0xFFFFE020];
	[tilespmem:s31+$0xFFFFE060] =	vst v2  }
0x7b: {  	v2 =	vld [tilespmem:s1+$0xFFFFE030];
	[tilespmem:s31+$0x10] =	vst v8  }
0x7c: {  	s3 =	sand.u32 $0x3F0, s3;
	v8 =	vld [tilespmem:s1+$0xFFFFE060];
	[tilespmem:s31+$0xFFFFE010] =	vst v15;
	s31 =	smov.u32 s1  }
0x7d: {  	v1 =	vld [tilespmem:s3+$0x1BE80]  }
0x7e: {  	v15 =	vld [tilespmem:s1+$0x10]  }
0x7f: {  	v5 =	vsub.f32 v7, v5;
	v17 =	vld [tilespmem:s1+$0xFFFFE010]  }
0x80: {  	v7 =	vsub.f32 v4, v16;
	v4 =	vsub.f32 v2, v3;
	v16 =	vld [tilespmem:s1+$0xFFFFE040]  }
.Ltmp0:
0x81: {  	v12 =	vsub.f32 v10, v12;
	v3 =	vsub.f32 v8, v14;
	(pc) =	sbr.rel @p0 .LBB2_3-.Ltmp0, $4  }
0x82: {  	v2 =	vsub.f32 $0.0e+00, v1;
	v8 =	vmul.f32 v7, v1;
	v11 =	vmul.f32 v4, v1  }
0x83: {  	v6 =	vsub.f32 v6, v9;
	v10 =	vmul.f32 v12, v1;
	v18 =	vmul.f32 v5, v1  }
0x84: {  	v14 =	vmul.f32 v3, v1;
	[tilespmem:s1+$0x0] =	vst v8;
	v9 =	vmul.f32 v7, v2;
	v8 =	vsub.f32 v17, v15  }
0x85: {  	v7 =	vmul.f32 v12, v2;
	v12 =	vsub.f32 v16, v13;
	[tilespmem:s1+$0x50] =	vst v18;
	v13 =	vmul.f32 v6, v2  }
0x86: {  	[tilespmem:s31+$0x60] =	vst v14  }
0x87: {  	[tilespmem:s31+$0x30] =	vst v11  }
0x88: {  	[tilespmem:s31+$0x20] =	vst v10  }
0x89: {  	[tilespmem:s31+$0xFFFFE000] =	vst v9  }
0x8a: {  	v5 =	vmul.f32 v5, v2;
	[tilespmem:s31+$0xFFFFE070] =	vst v13  }
0x8b: {  	v6 =	vmul.f32 v6, v1;
	[tilespmem:s31+$0xFFFFE020] =	vst v7  }
0x8c: {  	v4 =	vmul.f32 v4, v2;
	[tilespmem:s31+$0xFFFFE050] =	vst v5  }
0x8d: {  	v3 =	vmul.f32 v3, v2;
	[tilespmem:s31+$0x70] =	vst v6  }
0x8e: {  	v5 =	vmul.f32 v12, v1;
	[tilespmem:s31+$0xFFFFE030] =	vst v4  }
0x8f: {  	v6 =	vmul.f32 v12, v2;
	[tilespmem:s31+$0xFFFFE060] =	vst v3  }
0x90: {  	v1 =	vmul.f32 v8, v1;
	[tilespmem:s31+$0x40] =	vst v5  }
0x91: {  	v2 =	vmul.f32 v8, v2;
	[tilespmem:s31+$0xFFFFE040] =	vst v6  }
0x92: {  	[tilespmem:s31+$0x10] =	vst v1  }
0x93: {  	[tilespmem:s31+$0xFFFFE010] =	vst v2  }
0x94: {  	[spmem:s2] =	stream.indirect.scatter.add.f32 [tilespmem:s15], [sflag:$0x3], $0x80, s22, s13, $0xb8;
	[tilespmem:$0x1C800] =	vst v63  }
0x95: {  	_ =	swait.ge [sflag:s23], $0x4000  }
0x96: {  	[sflag:s23] =	ssyncset.done $0x0  }
0x97: {  	s1 =	sadd.s32 $0x140, s30;
	s0 =	simm.s32 $0x0;
	[sflag:s23] =	ssyncadd.s32 $0xFFFFC000  }
0x98: {  	[tilespmem:s11], [sflag:$0x5] =	stream.linear.gather [hbm4b:s1+s0], $0x500, $0x38;
	[tilespmem:$0x1C800] =	vst v63  }
0x99: {  	_ =	swait.ge [sflag:s12], $0x500  }
0x9a: {  	[sflag:s12] =	ssyncset.done $0x0  }
0x9b: {  	[sflag:s12] =	ssyncadd.s32 $0xFFFFFB00  }
0x9c: {  	v1 =	vld [tilespmem:$0x1BE00];
	_ =	sdelay $0x1  }
0x9d: {  	v2 =	vld [tilespmem:$0x1BE10];
	_ =	sdelay $0x1  }
0x9e: {  	v3 =	vld [tilespmem:$0x1BE20]  }
0x9f: {  	v1 =	vtrunc.f32 v1  }
0xa0: {  	v4 =	vld [tilespmem:$0x1BE30];
	v1 =	vcvt.f32.s32 v1  }
0xa1: {  	v2 =	vtrunc.f32 v2  }
0xa2: {  	v5 =	vld [tilespmem:$0x1BE40];
	v2 =	vcvt.f32.s32 v2;
	[tilespmem:$0x1BC00] =	vst v1;
	v1 =	vadd.s32 v1, v0  }
0xa3: {  	[tilespmem:$0x1BD00] =	vst v1;
	v1 =	vtrunc.f32 v3  }
0xa4: {  	[tilespmem:$0x1BC10] =	vst v2;
	v2 =	vadd.s32 v2, v0;
	v3 =	vld [tilespmem:$0x1BE50];
	v1 =	vcvt.f32.s32 v1  }
0xa5: {  	[tilespmem:$0x1BD10] =	vst v2;
	v2 =	vtrunc.f32 v4  }
0xa6: {  	v4 =	vld [tilespmem:$0x1BE60];
	v2 =	vcvt.f32.s32 v2;
	[tilespmem:$0x1BC20] =	vst v1;
	v1 =	vadd.s32 v1, v0  }
0xa7: {  	[tilespmem:$0x1BD20] =	vst v1;
	v1 =	vtrunc.f32 v5  }
0xa8: {  	[tilespmem:$0x1BC30] =	vst v2;
	v2 =	vadd.s32 v2, v0;
	v5 =	vld [tilespmem:$0x1BE70];
	v1 =	vcvt.f32.s32 v1  }
0xa9: {  	[tilespmem:$0x1BD30] =	vst v2;
	v2 =	vtrunc.f32 v3  }
0xaa: {  	v2 =	vcvt.f32.s32 v2;
	[tilespmem:$0x1BC40] =	vst v1;
	v1 =	vadd.s32 v1, v0  }
0xab: {  	[tilespmem:$0x1BD40] =	vst v1;
	v1 =	vtrunc.f32 v4  }
0xac: {  	[tilespmem:$0x1BC50] =	vst v2;
	v2 =	vadd.s32 v2, v0;
	v1 =	vcvt.f32.s32 v1  }
0xad: {  	[tilespmem:$0x1BD50] =	vst v2;
	v2 =	vtrunc.f32 v5  }
0xae: {  	v2 =	vcvt.f32.s32 v2;
	[tilespmem:$0x1BC60] =	vst v1;
	v1 =	vadd.s32 v1, v0  }
0xaf: {  	[tilespmem:$0x1BD60] =	vst v1  }
0xb0: {  	[tilespmem:$0x1BC70] =	vst v2;
	v1 =	vadd.s32 v2, v0  }
0xb1: {  	[tilespmem:$0x1BD70] =	vst v1  }
0xb2: {  	[tilespmem:s15], [sflag:$0x1] =	stream.indirect.gather [hbm4b:s5+s13], $0x80, s14, s13, $0xb8;
	[tilespmem:$0x1C800] =	vst v63  }
0xb3: {  	_ =	swait.ge [sflag:s24], $0x4000  }
0xb4: {  	[sflag:s24] =	ssyncset.done $0x0  }
0xb5: {  	s30 =	simm.s32 $0x19C00;
	[sflag:s24] =	ssyncadd.s32 $0xFFFFC000  }
0xb6: {  	v2 =	vld [tilespmem:s30+$0x60]  }
0xb7: {  	v3 =	vld [tilespmem:s30+$0x0]  }
0xb8: {  	v6 =	vld [tilespmem:s30+$0x20]  }
0xb9: {  	v7 =	vld [tilespmem:s30+$0xFFFFE070]  }
0xba: {  	v4 =	vld [tilespmem:s30+$0x30]  }
0xbb: {  	v5 =	vld [tilespmem:s30+$0x50]  }
0xbc: {  	v8 =	vld [tilespmem:s30+$0xFFFFE050]  }
0xbd: {  	v9 =	vld [tilespmem:s30+$0x70]  }
0xbe: {  	v12 =	vld [tilespmem:s30+$0x40]  }
0xbf: {  	v10 =	vld [tilespmem:s30+$0xFFFFE000]  }
0xc0: {  	v11 =	vld [tilespmem:s30+$0xFFFFE020]  }
0xc1: {  	v13 =	vld [tilespmem:s30+$0xFFFFE030]  }
0xc2: {  	s0 =	sand.u32 $0x3F0, s0;
	v14 =	vld [tilespmem:s30+$0xFFFFE060]  }
0xc3: {  	v1 =	vld [tilespmem:s0+$0x1C380]  }
0xc4: {  	v15 =	vld [tilespmem:s30+$0x10]  }
0xc5: {  	v16 =	vld [tilespmem:s30+$0xFFFFE010];
	v5 =	vsub.f32 v8, v5  }
0xc6: {  	v8 =	vsub.f32 v10, v3;
	v4 =	vsub.f32 v13, v4;
	v13 =	vld [tilespmem:s30+$0xFFFFE040]  }
0xc7: {  	v17 =	vsub.f32 v11, v6;
	v3 =	vsub.f32 v14, v2  }
0xc8: {  	v2 =	vsub.f32 $0.0e+00, v1;
	v14 =	vmul.f32 v8, v1;
	v11 =	vmul.f32 v4, v1  }
0xc9: {  	v6 =	vsub.f32 v7, v9;
	v10 =	vmul.f32 v17, v1;
	v18 =	vmul.f32 v5, v1  }
0xca: {  	v9 =	vmul.f32 v8, v2;
	v8 =	vsub.f32 v16, v15;
	v7 =	vmul.f32 v17, v2;
	[tilespmem:s30+$0x0] =	vst v14  }
0xcb: {  	s1 =	simm.s32 $0x19C00;
	s0 =	simm.s32 $0x10;
	v14 =	vmul.f32 v3, v1;
	[tilespmem:s30+$0x50] =	vst v18;
	v12 =	vsub.f32 v13, v12;
	v13 =	vmul.f32 v6, v2  }
.LBB2_5:
0xcc: {  	p0 =	sne.s32 s0, $0x3F0  }
0xcd: {  	v15 =	vmul.f32 v8, v2;
	v5 =	vmul.f32 v5, v2;
	[tilespmem:s30+$0x60] =	vst v14;
	s1 =	sadd.s32 $0x80, s1;
	s3 =	smov.u32 s0;
	s0 =	sadd.s32 $0x10, s0  }
0xce: {  	v4 =	vmul.f32 v4, v2;
	v14 =	vld [tilespmem:s1+$0x60];
	[tilespmem:s30+$0x30] =	vst v11;
	v11 =	vmul.f32 v12, v2  }
0xcf: {  	v8 =	vmul.f32 v8, v1;
	v16 =	vld [tilespmem:s1+$0x0];
	[tilespmem:s30+$0x20] =	vst v10;
	v10 =	vmul.f32 v12, v1  }
0xd0: {  	v2 =	vmul.f32 v3, v2;
	v1 =	vmul.f32 v6, v1;
	v12 =	vld [tilespmem:s1+$0x20];
	[tilespmem:s30+$0xFFFFE070] =	vst v13  }
0xd1: {  	v6 =	vld [tilespmem:s1+$0xFFFFE070];
	[tilespmem:s30+$0xFFFFE000] =	vst v9  }
0xd2: {  	v3 =	vld [tilespmem:s1+$0x30];
	[tilespmem:s30+$0xFFFFE050] =	vst v5  }
0xd3: {  	v5 =	vld [tilespmem:s1+$0x50];
	[tilespmem:s30+$0xFFFFE020] =	vst v7  }
0xd4: {  	v7 =	vld [tilespmem:s1+$0xFFFFE050];
	[tilespmem:s30+$0x70] =	vst v1  }
0xd5: {  	v9 =	vld [tilespmem:s1+$0x70];
	[tilespmem:s30+$0x40] =	vst v10  }
0xd6: {  	v13 =	vld [tilespmem:s1+$0x40];
	[tilespmem:s30+$0xFFFFE030] =	vst v4  }
0xd7: {  	v4 =	vld [tilespmem:s1+$0xFFFFE000];
	[tilespmem:s30+$0xFFFFE040] =	vst v11  }
0xd8: {  	v10 =	vld [tilespmem:s1+$0xFFFFE020];
	[tilespmem:s30+$0xFFFFE060] =	vst v2  }
0xd9: {  	v2 =	vld [tilespmem:s1+$0xFFFFE030];
	[tilespmem:s30+$0x10] =	vst v8  }
0xda: {  	s3 =	sand.u32 $0x3F0, s3;
	v8 =	vld [tilespmem:s1+$0xFFFFE060];
	[tilespmem:s30+$0xFFFFE010] =	vst v15;
	s30 =	smov.u32 s1  }
0xdb: {  	v1 =	vld [tilespmem:s3+$0x1C380]  }
0xdc: {  	v15 =	vld [tilespmem:s1+$0x10]  }
0xdd: {  	v5 =	vsub.f32 v7, v5;
	v17 =	vld [tilespmem:s1+$0xFFFFE010]  }
0xde: {  	v7 =	vsub.f32 v4, v16;
	v4 =	vsub.f32 v2, v3;
	v16 =	vld [tilespmem:s1+$0xFFFFE040]  }
.Ltmp1:
0xdf: {  	v12 =	vsub.f32 v10, v12;
	v3 =	vsub.f32 v8, v14;
	(pc) =	sbr.rel @p0 .LBB2_5-.Ltmp1, $4  }
0xe0: {  	v2 =	vsub.f32 $0.0e+00, v1;
	v8 =	vmul.f32 v7, v1;
	v11 =	vmul.f32 v4, v1  }
0xe1: {  	v6 =	vsub.f32 v6, v9;
	v10 =	vmul.f32 v12, v1;
	v18 =	vmul.f32 v5, v1  }
0xe2: {  	v14 =	vmul.f32 v3, v1;
	[tilespmem:s1+$0x0] =	vst v8;
	v9 =	vmul.f32 v7, v2;
	v8 =	vsub.f32 v17, v15  }
0xe3: {  	v7 =	vmul.f32 v12, v2;
	v12 =	vsub.f32 v16, v13;
	[tilespmem:s1+$0x50] =	vst v18;
	v13 =	vmul.f32 v6, v2  }
0xe4: {  	[tilespmem:s30+$0x60] =	vst v14  }
0xe5: {  	[tilespmem:s30+$0x30] =	vst v11  }
0xe6: {  	[tilespmem:s30+$0x20] =	vst v10  }
0xe7: {  	[tilespmem:s30+$0xFFFFE000] =	vst v9  }
0xe8: {  	v5 =	vmul.f32 v5, v2;
	[tilespmem:s30+$0xFFFFE070] =	vst v13  }
0xe9: {  	v6 =	vmul.f32 v6, v1;
	[tilespmem:s30+$0xFFFFE020] =	vst v7  }
0xea: {  	v4 =	vmul.f32 v4, v2;
	[tilespmem:s30+$0xFFFFE050] =	vst v5  }
0xeb: {  	v3 =	vmul.f32 v3, v2;
	[tilespmem:s30+$0x70] =	vst v6  }
0xec: {  	s29 =	sadd.s32 $0x1, s29;
	v62 =	vmul.f32 v12, v1;
	[tilespmem:s30+$0xFFFFE030] =	vst v4  }
0xed: {  	v63 =	vmul.f32 v12, v2;
	p0 =	sne.s32 s29, $0x9D;
	[tilespmem:s30+$0xFFFFE060] =	vst v3  }
.Ltmp2:
0xee: {  	v1 =	vmul.f32 v8, v1;
	[tilespmem:s30+$0x40] =	vst v62;
	(pc) =	sbr.rel @p0 .LBB2_2-.Ltmp2, $4  }
0xef: {  	v2 =	vmul.f32 v8, v2;
	[tilespmem:s30+$0xFFFFE040] =	vst v63  }
0xf0: {  	[tilespmem:s30+$0x10] =	vst v1  }
0xf1: {  	[tilespmem:s30+$0xFFFFE010] =	vst v2  }
0xf2: {  	[spmem:s2] =	stream.indirect.scatter.add.f32 [tilespmem:s20], [sflag:$0x4], $0x80, s25, s13, $0xb8;
	[tilespmem:$0x1C800] =	vst v63  }
0xf3: {  	_ =	swait.ge [sflag:s21], $0x4000  }
0xf4: {  	[sflag:s21] =	ssyncset.done $0x0  }
0xf5: {  	[sflag:s21] =	ssyncadd.s32 $0xFFFFC000  }
0xf6: {  	_ =	swait.ge [sflag:s26], $0x4000  }
0xf7: {  	s28 =	sadd.s32 $0x1, s28;
	[sflag:s26] =	ssyncset.done $0x0  }
0xf8: {  	p0 =	sne.s32 s28, s10;
	[sflag:s26] =	ssyncadd.s32 $0xFFFFC000  }
.Ltmp3:
0xf9: {  	[bflag:$0x0] =	sbarrier.arrive $0xFFFF;
	(pc) =	sbr.rel @p0 .LBB2_1-.Ltmp3, $4  }
0xfa: {  	[hbm:s9], [sflag:s16] =	dma.local [spmem:s17], $0x2780  }
0xfb: {  	_ =	swait.ge [sflag:s12], $0x2780  }
0xfc: {  	[sflag:s12] =	ssyncset.done $0x0  }
0xfd: {  	[sflag:s12] =	ssyncadd.s32 $0xFFFFD880  }
0xfe: {  	_ =	sfence.sel $0x180000  }
0xff: {  	[bflag:$0x0] =	sbarrier.arrive $0xFFFF  }
0x100: {  	_ =	strace $0x90000047  }
0x101: {  	s0 =	stileid.u32;
	[bflag:$0x2] =	sbarrier.arrive $0xFFFF  }
0x102: {  	p0 =	sne.s32 s0, $0x0;
	s0 =	rddreg [dreg:$0x3]  }
0x103: {  	s0 =	sadd.s32 @!p0 $0x100000, s0  }
0x104: {  	[sflag:s0] =	ssyncadd.tile.s32 @!p0 $0x1;
	_ =	shalt  }
.Lfunc_end2:
_tile_overlayer_lowered:
.L_overlay_start_2:
0x105: {  	(tag) =	ssettag $0x2  }
0x106: {  	s0 =	rddreg [dreg:$0x0];
	s2 =	stileid.u32  }
0x107: {  	s1 =	rddreg [dreg:$0x1];
	p0 =	sne.s32 s2, $0x0  }
0x108: {  	s3 =	rddreg [dreg:$0x2];
	[bflag:$0x3] =	sbarrier.arrive $0xFFFF;
	s2 =	simm.s32 @!p0 $0x1C05  }
0x109: {  	[timem:s3], [sflag:s2] =	dma.local @!p0 [hbm:s0], s1  }
0x10a: {  	s0 =	simm.s32 @!p0 $0x5  }
0x10b: {  	_ =	swait.ge @!p0 [sflag:s0], s1  }
0x10c: {  	s1 =	ssub.s32 @!p0 $0x0, s1;
	[sflag:s0] =	ssyncset.done @!p0 $0x0  }
0x10d: {  	[sflag:s0] =	ssyncadd.s32 @!p0 s1  }
0x10e: {  	[bflag:$0x3] =	sbarrier.arrive $0xFFFF  }
0x10f: {  	_ =	shalt  }

</sc_bundles>
